<compile_context>
chip_gen: v7x
topology: tpu7x:2x2x1
jax: 0.10.2.dev20260603
libtpu: 0.0.44.dev20260713+nightly
codegen_flags: <defaults>
</compile_context>

<pallas_src>
import jax
import jax.numpy as jnp
from jax import lax
from jax.experimental import pallas as pl
from jax.experimental.pallas import tpu as pltpu
from jax.experimental.pallas import tpu_sc as plsc

N = 320000
D = 128
G = 1024

NC = 2
NS = 16
LANES = 16
DHALF = D // NC
CHUNK = 128
NCHUNKS = N // CHUNK
NBASE = NCHUNKS // NS
NREM = NCHUNKS % NS
NMAX = NBASE + 1
GROWS = G // NS


def _body(x_hbm, idx_hbm, cnt_hbm, out_hbm,
          rbuf0, rbuf1, rbuf2, rbuf3, rbuf4, rbuf5, idxbuf, obuf, cntbuf, acc,
          ld0, ld1, ld2, ld3, ld4, ld5, st0, st1, st2, st3, st4, st5):
    c = lax.axis_index("c")
    s = lax.axis_index("s")
    col0 = c * DHALF

    def _zero_row(r, _):
        for j in range(DHALF // LANES):
            obuf[r, pl.ds(j * LANES, LANES)] = jnp.zeros((LANES,), jnp.float32)
        return 0

    lax.fori_loop(0, GROWS, _zero_row, 0)
    pltpu.sync_copy(obuf, acc.at[pl.ds(s * GROWS, GROWS)])

    base = s * NBASE + jnp.minimum(s, NREM)
    n_loc = jnp.where(s < NREM, NMAX, NBASE)

    pltpu.sync_copy(idx_hbm.at[pl.ds(base, NBASE)], idxbuf.at[pl.ds(0, NBASE)])

    @pl.when(s < NREM)
    def _():
        pltpu.sync_copy(idx_hbm.at[pl.ds(base + NBASE, 1)],
                        idxbuf.at[pl.ds(NBASE, 1)])

    plsc.subcore_barrier()

    def _load(i, buf, sem):
        row0 = (base + i) * CHUNK
        pltpu.async_copy(x_hbm.at[pl.ds(row0, CHUNK), pl.ds(col0, DHALF)],
                         buf, sem)

    def _wait_load(buf, sem):
        pltpu.make_async_copy(
            x_hbm.at[pl.ds(0, CHUNK), pl.ds(col0, DHALF)], buf, sem).wait()

    rbufs = (rbuf0, rbuf1, rbuf2, rbuf3, rbuf4, rbuf5)
    lds = (ld0, ld1, ld2, ld3, ld4, ld5)
    sts = (st0, st1, st2, st3, st4, st5)
    NB = 6

    for b in range(NB):
        _load(b, rbufs[b], lds[b])

    def _ring(j, _):
        a = NB * j
        descs = []
        for b in range(NB):
            _wait_load(rbufs[b], lds[b])
            descs.append(pltpu.async_copy(
                rbufs[b], acc.at[idxbuf.at[a + b]], sts[b], add=True))
        for b in range(NB):
            descs[b].wait()
            _load(jnp.minimum(a + NB + b, n_loc - 1), rbufs[b], lds[b])
        return 0

    lax.fori_loop(0, NBASE // NB, _ring, 0)
    for b in range(NB):
        _wait_load(rbufs[b], lds[b])

    @pl.when(s < NREM)
    def _():
        pltpu.sync_copy(rbuf0, acc.at[idxbuf.at[NBASE]], add=True)

    plsc.subcore_barrier()

    g0 = s * GROWS
    pltpu.sync_copy(acc.at[pl.ds(g0, GROWS)], obuf)
    pltpu.sync_copy(cnt_hbm.at[pl.ds(g0, GROWS)], cntbuf)

    def _div_row(r, _):
        cv = plsc.load_gather(cntbuf, [jnp.full((LANES,), r, jnp.int32)])
        for j in range(DHALF // LANES):
            v = obuf[r, pl.ds(j * LANES, LANES)]
            obuf[r, pl.ds(j * LANES, LANES)] = v / cv
        return 0

    lax.fori_loop(0, GROWS, _div_row, 0)
    pltpu.sync_copy(obuf, out_hbm.at[pl.ds(g0, GROWS), pl.ds(col0, DHALF)])


@jax.jit
def _pool(x, idx, cnt):
    mesh = plsc.VectorSubcoreMesh(core_axis_name="c", subcore_axis_name="s")
    return pl.kernel(
        _body,
        out_type=jax.ShapeDtypeStruct((G, D), jnp.float32),
        mesh=mesh,
        compiler_params=pltpu.CompilerParams(
            use_tc_tiling_on_sc=False, needs_layout_passes=False),
        scratch_types=[
            pltpu.VMEM((CHUNK, DHALF), jnp.float32),
            pltpu.VMEM((CHUNK, DHALF), jnp.float32),
            pltpu.VMEM((CHUNK, DHALF), jnp.float32),
            pltpu.VMEM((CHUNK, DHALF), jnp.float32),
            pltpu.VMEM((CHUNK, DHALF), jnp.float32),
            pltpu.VMEM((CHUNK, DHALF), jnp.float32),
            pltpu.VMEM((NMAX, CHUNK), jnp.int32),
            pltpu.VMEM((GROWS, DHALF), jnp.float32),
            pltpu.VMEM((GROWS,), jnp.float32),
            pltpu.VMEM_SHARED((G, DHALF), jnp.float32),
            pltpu.SemaphoreType.DMA,
            pltpu.SemaphoreType.DMA,
            pltpu.SemaphoreType.DMA,
            pltpu.SemaphoreType.DMA,
            pltpu.SemaphoreType.DMA,
            pltpu.SemaphoreType.DMA,
            pltpu.SemaphoreType.DMA,
            pltpu.SemaphoreType.DMA,
            pltpu.SemaphoreType.DMA,
            pltpu.SemaphoreType.DMA,
            pltpu.SemaphoreType.DMA,
            pltpu.SemaphoreType.DMA,
        ],
    )(x, idx, cnt)


def kernel(input, graph_indices, node_counts):
    idx = graph_indices.astype(jnp.int32).reshape(NCHUNKS, CHUNK)
    return _pool(input, idx, node_counts)

# --- scband reference (transcript-rebuilt; emitter-appended) ---
"""Pipeline reference for scband-linear-pooling-37417755083501 (READ-ONLY COPY).

The authoritative reference and input builder live on the scoring server;
editing this copy changes nothing except your own understanding.
"""

import jax, jax.numpy as jnp
import numpy as np

N = 320000
D = 128
G = 1024

def setup_inputs(seed: int = 0) -> dict:
    key = jax.random.key(seed)
    k1, k2 = jax.random.split(key)
    inp = jax.random.normal(k1, (N, D), dtype=jnp.float32)
    graph_indices = jnp.sort(jax.random.randint(k2, (N,), 0, G, dtype=jnp.int64))
    node_counts = jnp.ones((G,), dtype=jnp.float32)
    return {"input": inp, "graph_indices": graph_indices, "node_counts": node_counts}

def reference(input, graph_indices, node_counts):
    # g = zeros(G, D); g.index_add_(0, graph_indices, input)  -> segment_sum
    graph_count = node_counts.shape[0]
    g = jax.ops.segment_sum(input, graph_indices, num_segments=graph_count)
    # output = g / node_counts[:, None]
    n = node_counts[:, None]
    output = g / n
    return output

if __name__ == "__main__":
    import jax
    _d = setup_inputs()
    print(jax.jit(kernel)(*tuple(_d.values())))

</pallas_src>

<mosaic_0001>
#map = affine_map<(d0, d1) -> (0, 0)>
#map1 = affine_map<(d0, d1) -> (0)>
module attributes {stable_mosaic.version = 14 : i64} {
  func.func @_body(%arg0: i32, %arg1: i32, %arg2: memref<320000x128xf32, #tpu.memory_space<hbm>>, %arg3: memref<2500x128xi32, #tpu.memory_space<hbm>>, %arg4: memref<1024xf32, #tpu.memory_space<hbm>>, %arg5: memref<1024x128xf32, #tpu.memory_space<hbm>>, %arg6: memref<128x64xf32, #tpu.memory_space<vmem>>, %arg7: memref<128x64xf32, #tpu.memory_space<vmem>>, %arg8: memref<128x64xf32, #tpu.memory_space<vmem>>, %arg9: memref<128x64xf32, #tpu.memory_space<vmem>>, %arg10: memref<128x64xf32, #tpu.memory_space<vmem>>, %arg11: memref<128x64xf32, #tpu.memory_space<vmem>>, %arg12: memref<157x128xi32, #tpu.memory_space<vmem>>, %arg13: memref<64x64xf32, #tpu.memory_space<vmem>>, %arg14: memref<64xf32, #tpu.memory_space<vmem>>, %arg15: memref<1024x64xf32, #tpu.memory_space<vmem_shared>>, %arg16: memref<!tpu.dma_semaphore, #tpu.memory_space<semaphore_mem>>, %arg17: memref<!tpu.dma_semaphore, #tpu.memory_space<semaphore_mem>>, %arg18: memref<!tpu.dma_semaphore, #tpu.memory_space<semaphore_mem>>, %arg19: memref<!tpu.dma_semaphore, #tpu.memory_space<semaphore_mem>>, %arg20: memref<!tpu.dma_semaphore, #tpu.memory_space<semaphore_mem>>, %arg21: memref<!tpu.dma_semaphore, #tpu.memory_space<semaphore_mem>>, %arg22: memref<!tpu.dma_semaphore, #tpu.memory_space<semaphore_mem>>, %arg23: memref<!tpu.dma_semaphore, #tpu.memory_space<semaphore_mem>>, %arg24: memref<!tpu.dma_semaphore, #tpu.memory_space<semaphore_mem>>, %arg25: memref<!tpu.dma_semaphore, #tpu.memory_space<semaphore_mem>>, %arg26: memref<!tpu.dma_semaphore, #tpu.memory_space<semaphore_mem>>, %arg27: memref<!tpu.dma_semaphore, #tpu.memory_space<semaphore_mem>>) attributes {dimension_semantics = [#tpu.dimension_semantics<core_parallel>, #tpu.dimension_semantics<subcore_parallel>], iteration_bounds = array<i64: 2, 16>, scalar_prefetch = 0 : i64, scratch_operands = 22 : i64, tpu.core_type = #tpu.core_type<sc_vector_subcore>, window_params = [{transform_indices = #map}, {transform_indices = #map}, {transform_indices = #map1}, {transform_indices = #map}]} {
    %mul3A = arith.constant 64 : i32
    %mul3A_0 = arith.muli %arg0, %mul3A : i32
    %scan3A = arith.constant 0 : i32
    %scan3A_1 = arith.constant 0 : i32
    %scan3A_2 = arith.constant 64 : i32
    %scan3A_3 = arith.addi %scan3A_1, %scan3A_2 : i32
    %scan3A_4 = arith.constant 1 : i32
    %scan3A_5 = scf.for %scan3A_97 = %scan3A_1 to %scan3A_3 step %scan3A_4 iter_args(%scan3A_98 = %scan3A) -> (i32)  : i32 {
      %broadcast_in_dim3A = arith.constant 0.000000e+00 : f32
      %broadcast_in_dim3A_99 = vector.broadcast %broadcast_in_dim3A : f32 to vector<16xf32>
      %swap3A = arith.index_cast %scan3A_97 : i32 to index
      %swap3A_100 = arith.constant 0 : index
      %swap3A_101 = tpu.vector_load %arg13[%swap3A, %swap3A_100] {strides = array<i32>} : memref<64x64xf32, #tpu.memory_space<vmem>>, vector<16xf32>,
      tpu.vector_store %arg13[%swap3A, %swap3A_100], %broadcast_in_dim3A_99 {strides = array<i32>} : memref<64x64xf32, #tpu.memory_space<vmem>>, vector<16xf32>,
      %broadcast_in_dim3A_102 = arith.constant 0.000000e+00 : f32
      %broadcast_in_dim3A_103 = vector.broadcast %broadcast_in_dim3A_102 : f32 to vector<16xf32>
      %swap3A_104 = arith.index_cast %scan3A_97 : i32 to index
      %swap3A_105 = arith.constant 16 : index
      %swap3A_106 = tpu.vector_load %arg13[%swap3A_104, %swap3A_105] {strides = array<i32>} : memref<64x64xf32, #tpu.memory_space<vmem>>, vector<16xf32>,
      tpu.vector_store %arg13[%swap3A_104, %swap3A_105], %broadcast_in_dim3A_103 {strides = array<i32>} : memref<64x64xf32, #tpu.memory_space<vmem>>, vector<16xf32>,
      %broadcast_in_dim3A_107 = arith.constant 0.000000e+00 : f32
      %broadcast_in_dim3A_108 = vector.broadcast %broadcast_in_dim3A_107 : f32 to vector<16xf32>
      %swap3A_109 = arith.index_cast %scan3A_97 : i32 to index
      %swap3A_110 = arith.constant 32 : index
      %swap3A_111 = tpu.vector_load %arg13[%swap3A_109, %swap3A_110] {strides = array<i32>} : memref<64x64xf32, #tpu.memory_space<vmem>>, vector<16xf32>,
      tpu.vector_store %arg13[%swap3A_109, %swap3A_110], %broadcast_in_dim3A_108 {strides = array<i32>} : memref<64x64xf32, #tpu.memory_space<vmem>>, vector<16xf32>,
      %broadcast_in_dim3A_112 = arith.constant 0.000000e+00 : f32
      %broadcast_in_dim3A_113 = vector.broadcast %broadcast_in_dim3A_112 : f32 to vector<16xf32>
      %swap3A_114 = arith.index_cast %scan3A_97 : i32 to index
      %swap3A_115 = arith.constant 48 : index
      %swap3A_116 = tpu.vector_load %arg13[%swap3A_114, %swap3A_115] {strides = array<i32>} : memref<64x64xf32, #tpu.memory_space<vmem>>, vector<16xf32>,
      tpu.vector_store %arg13[%swap3A_114, %swap3A_115], %broadcast_in_dim3A_113 {strides = array<i32>} : memref<64x64xf32, #tpu.memory_space<vmem>>, vector<16xf32>,
      %scan3A_117 = arith.constant 0 : i32
      scf.yield %scan3A_117 : i32
    }
    %scan3A_6 = arith.constant 64 : i32
    %mul3A_7 = arith.constant 64 : i32
    %mul3A_8 = arith.muli %arg1, %mul3A_7 : i32
    "tpu.region"() ({
      %run_scoped3A = tpu.sem_alloc : memref<!tpu.dma_semaphore, #tpu.memory_space<semaphore_mem>>
      %dma_start3A_97 = arith.constant 0 : i32
      %dma_start3A_98 = tpu.memref_slice %arg15[%mul3A_8, %dma_start3A_97] : memref<1024x64xf32, #tpu.memory_space<vmem_shared>> -> memref<64x64xf32, #tpu.memory_space<vmem_shared>>
      %dma_start3A_99 = arith.constant 0 : i32
      %dma_start3A_100 = tpu.memref_slice %arg15[%mul3A_8, %dma_start3A_99] : memref<1024x64xf32, #tpu.memory_space<vmem_shared>> -> memref<64x64xf32, #tpu.memory_space<vmem_shared>>
      tpu.enqueue_dma source(%arg13 : memref<64x64xf32, #tpu.memory_space<vmem>>) target(%dma_start3A_100 : memref<64x64xf32, #tpu.memory_space<vmem_shared>>) target_semaphore(%run_scoped3A : memref<!tpu.dma_semaphore, #tpu.memory_space<semaphore_mem>>)
      %dma_wait3A_101 = arith.constant 0 : i32
      %dma_wait3A_102 = tpu.memref_slice %arg15[%mul3A_8, %dma_wait3A_101] : memref<1024x64xf32, #tpu.memory_space<vmem_shared>> -> memref<64x64xf32, #tpu.memory_space<vmem_shared>>
      %dma_wait3A_103 = arith.constant 0 : i32
      %dma_wait3A_104 = tpu.memref_slice %arg15[%mul3A_8, %dma_wait3A_103] : memref<1024x64xf32, #tpu.memory_space<vmem_shared>> -> memref<64x64xf32, #tpu.memory_space<vmem_shared>>
      tpu.wait_dma2 semaphore(%run_scoped3A : memref<!tpu.dma_semaphore, #tpu.memory_space<semaphore_mem>>) src(%arg13 : memref<64x64xf32, #tpu.memory_space<vmem>>) dst(%dma_wait3A_104 : memref<64x64xf32, #tpu.memory_space<vmem_shared>>)
      tpu.yield
    }) : () -> ()
    %mul3A_9 = arith.constant 156 : i32
    %mul3A_10 = arith.muli %arg1, %mul3A_9 : i32
    %min3A = arith.constant 4 : i32
    %min3A_11 = arith.minsi %arg1, %min3A : i32
    %add3A = arith.addi %mul3A_10, %min3A_11 : i32
    %lt3A = arith.constant 4 : i32
    %lt3A_12 = arith.cmpi slt, %arg1, %lt3A : i32
    %jit3A = arith.constant 157 : i32
    %jit3A_13 = arith.constant 156 : i32
    %select_n3A = arith.select %lt3A_12, %jit3A, %jit3A_13 : i32
    "tpu.region"() ({
      %run_scoped3A = tpu.sem_alloc : memref<!tpu.dma_semaphore, #tpu.memory_space<semaphore_mem>>
      %dma_start3A_97 = arith.constant 0 : i32
      %dma_start3A_98 = arith.constant 0 : i32
      %dma_start3A_99 = tpu.memref_slice %arg12[%dma_start3A_97, %dma_start3A_98] : memref<157x128xi32, #tpu.memory_space<vmem>> -> memref<156x128xi32, #tpu.memory_space<vmem>>
      %dma_start3A_100 = arith.constant 0 : i32
      %dma_start3A_101 = tpu.memref_slice %arg3[%add3A, %dma_start3A_100] : memref<2500x128xi32, #tpu.memory_space<hbm>> -> memref<156x128xi32, #tpu.memory_space<hbm>>
      %dma_start3A_102 = arith.constant 0 : i32
      %dma_start3A_103 = arith.constant 0 : i32
      %dma_start3A_104 = tpu.memref_slice %arg12[%dma_start3A_102, %dma_start3A_103] : memref<157x128xi32, #tpu.memory_space<vmem>> -> memref<156x128xi32, #tpu.memory_space<vmem>>
      %dma_start3A_105 = arith.constant 0 : i32
      %dma_start3A_106 = tpu.memref_slice %arg3[%add3A, %dma_start3A_105] : memref<2500x128xi32, #tpu.memory_space<hbm>> -> memref<156x128xi32, #tpu.memory_space<hbm>>
      tpu.enqueue_dma source(%dma_start3A_106 : memref<156x128xi32, #tpu.memory_space<hbm>>) target(%dma_start3A_104 : memref<156x128xi32, #tpu.memory_space<vmem>>) target_semaphore(%run_scoped3A : memref<!tpu.dma_semaphore, #tpu.memory_space<semaphore_mem>>)
      %dma_wait3A_107 = arith.constant 0 : i32
      %dma_wait3A_108 = arith.constant 0 : i32
      %dma_wait3A_109 = tpu.memref_slice %arg12[%dma_wait3A_107, %dma_wait3A_108] : memref<157x128xi32, #tpu.memory_space<vmem>> -> memref<156x128xi32, #tpu.memory_space<vmem>>
      %dma_wait3A_110 = arith.constant 0 : i32
      %dma_wait3A_111 = tpu.memref_slice %arg3[%add3A, %dma_wait3A_110] : memref<2500x128xi32, #tpu.memory_space<hbm>> -> memref<156x128xi32, #tpu.memory_space<hbm>>
      %dma_wait3A_112 = arith.constant 0 : i32
      %dma_wait3A_113 = arith.constant 0 : i32
      %dma_wait3A_114 = tpu.memref_slice %arg12[%dma_wait3A_112, %dma_wait3A_113] : memref<157x128xi32, #tpu.memory_space<vmem>> -> memref<156x128xi32, #tpu.memory_space<vmem>>
      %dma_wait3A_115 = arith.constant 0 : i32
      %dma_wait3A_116 = tpu.memref_slice %arg3[%add3A, %dma_wait3A_115] : memref<2500x128xi32, #tpu.memory_space<hbm>> -> memref<156x128xi32, #tpu.memory_space<hbm>>
      tpu.wait_dma2 semaphore(%run_scoped3A : memref<!tpu.dma_semaphore, #tpu.memory_space<semaphore_mem>>) src(%dma_wait3A_116 : memref<156x128xi32, #tpu.memory_space<hbm>>) dst(%dma_wait3A_114 : memref<156x128xi32, #tpu.memory_space<vmem>>)
      tpu.yield
    }) : () -> ()
    %lt3A_14 = arith.constant 4 : i32
    %lt3A_15 = arith.cmpi slt, %arg1, %lt3A_14 : i32
    %convert_element_type3A = arith.extui %lt3A_15 : i1 to i32
    %cond3A = arith.constant 0 : i32
    %cond3A_16 = arith.cmpi ne, %convert_element_type3A, %cond3A : i32
    scf.if %cond3A_16 {
      %add3A_97 = arith.constant 156 : i32
      %add3A_98 = arith.addi %add3A, %add3A_97 : i32
      "tpu.region"() ({
        %run_scoped3A = tpu.sem_alloc : memref<!tpu.dma_semaphore, #tpu.memory_space<semaphore_mem>>
        %dma_start3A_99 = arith.constant 156 : i32
        %dma_start3A_100 = arith.constant 0 : i32
        %dma_start3A_101 = tpu.memref_slice %arg12[%dma_start3A_99, %dma_start3A_100] : memref<157x128xi32, #tpu.memory_space<vmem>> -> memref<1x128xi32, #tpu.memory_space<vmem>>
        %dma_start3A_102 = arith.constant 0 : i32
        %dma_start3A_103 = tpu.memref_slice %arg3[%add3A_98, %dma_start3A_102] : memref<2500x128xi32, #tpu.memory_space<hbm>> -> memref<1x128xi32, #tpu.memory_space<hbm>>
        %dma_start3A_104 = arith.constant 156 : i32
        %dma_start3A_105 = arith.constant 0 : i32
        %dma_start3A_106 = tpu.memref_slice %arg12[%dma_start3A_104, %dma_start3A_105] : memref<157x128xi32, #tpu.memory_space<vmem>> -> memref<1x128xi32, #tpu.memory_space<vmem>>
        %dma_start3A_107 = arith.constant 0 : i32
        %dma_start3A_108 = tpu.memref_slice %arg3[%add3A_98, %dma_start3A_107] : memref<2500x128xi32, #tpu.memory_space<hbm>> -> memref<1x128xi32, #tpu.memory_space<hbm>>
        tpu.enqueue_dma source(%dma_start3A_108 : memref<1x128xi32, #tpu.memory_space<hbm>>) target(%dma_start3A_106 : memref<1x128xi32, #tpu.memory_space<vmem>>) target_semaphore(%run_scoped3A : memref<!tpu.dma_semaphore, #tpu.memory_space<semaphore_mem>>)
        %dma_wait3A_109 = arith.constant 156 : i32
        %dma_wait3A_110 = arith.constant 0 : i32
        %dma_wait3A_111 = tpu.memref_slice %arg12[%dma_wait3A_109, %dma_wait3A_110] : memref<157x128xi32, #tpu.memory_space<vmem>> -> memref<1x128xi32, #tpu.memory_space<vmem>>
        %dma_wait3A_112 = arith.constant 0 : i32
        %dma_wait3A_113 = tpu.memref_slice %arg3[%add3A_98, %dma_wait3A_112] : memref<2500x128xi32, #tpu.memory_space<hbm>> -> memref<1x128xi32, #tpu.memory_space<hbm>>
        %dma_wait3A_114 = arith.constant 156 : i32
        %dma_wait3A_115 = arith.constant 0 : i32
        %dma_wait3A_116 = tpu.memref_slice %arg12[%dma_wait3A_114, %dma_wait3A_115] : memref<157x128xi32, #tpu.memory_space<vmem>> -> memref<1x128xi32, #tpu.memory_space<vmem>>
        %dma_wait3A_117 = arith.constant 0 : i32
        %dma_wait3A_118 = tpu.memref_slice %arg3[%add3A_98, %dma_wait3A_117] : memref<2500x128xi32, #tpu.memory_space<hbm>> -> memref<1x128xi32, #tpu.memory_space<hbm>>
        tpu.wait_dma2 semaphore(%run_scoped3A : memref<!tpu.dma_semaphore, #tpu.memory_space<semaphore_mem>>) src(%dma_wait3A_118 : memref<1x128xi32, #tpu.memory_space<hbm>>) dst(%dma_wait3A_116 : memref<1x128xi32, #tpu.memory_space<vmem>>)
        tpu.yield
      }) : () -> ()
    } else {
    }
    %barrier3A = arith.constant 0 : index
    tpu.barrier barrier_id(%barrier3A)
    %add3A_17 = arith.constant 0 : i32
    %add3A_18 = arith.addi %add3A, %add3A_17 : i32
    %mul3A_19 = arith.constant 128 : i32
    %mul3A_20 = arith.muli %add3A_18, %mul3A_19 : i32
    %dma_start3A = tpu.memref_slice %arg2[%mul3A_20, %mul3A_0] : memref<320000x128xf32, #tpu.memory_space<hbm>> -> memref<128x64xf32, #tpu.memory_space<hbm>>
    %dma_start3A_21 = tpu.memref_slice %arg2[%mul3A_20, %mul3A_0] : memref<320000x128xf32, #tpu.memory_space<hbm>> -> memref<128x64xf32, #tpu.memory_space<hbm>>
    tpu.enqueue_dma source(%dma_start3A_21 : memref<128x64xf32, #tpu.memory_space<hbm>>) target(%arg6 : memref<128x64xf32, #tpu.memory_space<vmem>>) target_semaphore(%arg16 : memref<!tpu.dma_semaphore, #tpu.memory_space<semaphore_mem>>)
    %add3A_22 = arith.constant 1 : i32
    %add3A_23 = arith.addi %add3A, %add3A_22 : i32
    %mul3A_24 = arith.constant 128 : i32
    %mul3A_25 = arith.muli %add3A_23, %mul3A_24 : i32
    %dma_start3A_26 = tpu.memref_slice %arg2[%mul3A_25, %mul3A_0] : memref<320000x128xf32, #tpu.memory_space<hbm>> -> memref<128x64xf32, #tpu.memory_space<hbm>>
    %dma_start3A_27 = tpu.memref_slice %arg2[%mul3A_25, %mul3A_0] : memref<320000x128xf32, #tpu.memory_space<hbm>> -> memref<128x64xf32, #tpu.memory_space<hbm>>
    tpu.enqueue_dma source(%dma_start3A_27 : memref<128x64xf32, #tpu.memory_space<hbm>>) target(%arg7 : memref<128x64xf32, #tpu.memory_space<vmem>>) target_semaphore(%arg17 : memref<!tpu.dma_semaphore, #tpu.memory_space<semaphore_mem>>)
    %add3A_28 = arith.constant 2 : i32
    %add3A_29 = arith.addi %add3A, %add3A_28 : i32
    %mul3A_30 = arith.constant 128 : i32
    %mul3A_31 = arith.muli %add3A_29, %mul3A_30 : i32
    %dma_start3A_32 = tpu.memref_slice %arg2[%mul3A_31, %mul3A_0] : memref<320000x128xf32, #tpu.memory_space<hbm>> -> memref<128x64xf32, #tpu.memory_space<hbm>>
    %dma_start3A_33 = tpu.memref_slice %arg2[%mul3A_31, %mul3A_0] : memref<320000x128xf32, #tpu.memory_space<hbm>> -> memref<128x64xf32, #tpu.memory_space<hbm>>
    tpu.enqueue_dma source(%dma_start3A_33 : memref<128x64xf32, #tpu.memory_space<hbm>>) target(%arg8 : memref<128x64xf32, #tpu.memory_space<vmem>>) target_semaphore(%arg18 : memref<!tpu.dma_semaphore, #tpu.memory_space<semaphore_mem>>)
    %add3A_34 = arith.constant 3 : i32
    %add3A_35 = arith.addi %add3A, %add3A_34 : i32
    %mul3A_36 = arith.constant 128 : i32
    %mul3A_37 = arith.muli %add3A_35, %mul3A_36 : i32
    %dma_start3A_38 = tpu.memref_slice %arg2[%mul3A_37, %mul3A_0] : memref<320000x128xf32, #tpu.memory_space<hbm>> -> memref<128x64xf32, #tpu.memory_space<hbm>>
    %dma_start3A_39 = tpu.memref_slice %arg2[%mul3A_37, %mul3A_0] : memref<320000x128xf32, #tpu.memory_space<hbm>> -> memref<128x64xf32, #tpu.memory_space<hbm>>
    tpu.enqueue_dma source(%dma_start3A_39 : memref<128x64xf32, #tpu.memory_space<hbm>>) target(%arg9 : memref<128x64xf32, #tpu.memory_space<vmem>>) target_semaphore(%arg19 : memref<!tpu.dma_semaphore, #tpu.memory_space<semaphore_mem>>)
    %add3A_40 = arith.constant 4 : i32
    %add3A_41 = arith.addi %add3A, %add3A_40 : i32
    %mul3A_42 = arith.constant 128 : i32
    %mul3A_43 = arith.muli %add3A_41, %mul3A_42 : i32
    %dma_start3A_44 = tpu.memref_slice %arg2[%mul3A_43, %mul3A_0] : memref<320000x128xf32, #tpu.memory_space<hbm>> -> memref<128x64xf32, #tpu.memory_space<hbm>>
    %dma_start3A_45 = tpu.memref_slice %arg2[%mul3A_43, %mul3A_0] : memref<320000x128xf32, #tpu.memory_space<hbm>> -> memref<128x64xf32, #tpu.memory_space<hbm>>
    tpu.enqueue_dma source(%dma_start3A_45 : memref<128x64xf32, #tpu.memory_space<hbm>>) target(%arg10 : memref<128x64xf32, #tpu.memory_space<vmem>>) target_semaphore(%arg20 : memref<!tpu.dma_semaphore, #tpu.memory_space<semaphore_mem>>)
    %add3A_46 = arith.constant 5 : i32
    %add3A_47 = arith.addi %add3A, %add3A_46 : i32
    %mul3A_48 = arith.constant 128 : i32
    %mul3A_49 = arith.muli %add3A_47, %mul3A_48 : i32
    %dma_start3A_50 = tpu.memref_slice %arg2[%mul3A_49, %mul3A_0] : memref<320000x128xf32, #tpu.memory_space<hbm>> -> memref<128x64xf32, #tpu.memory_space<hbm>>
    %dma_start3A_51 = tpu.memref_slice %arg2[%mul3A_49, %mul3A_0] : memref<320000x128xf32, #tpu.memory_space<hbm>> -> memref<128x64xf32, #tpu.memory_space<hbm>>
    tpu.enqueue_dma source(%dma_start3A_51 : memref<128x64xf32, #tpu.memory_space<hbm>>) target(%arg11 : memref<128x64xf32, #tpu.memory_space<vmem>>) target_semaphore(%arg21 : memref<!tpu.dma_semaphore, #tpu.memory_space<semaphore_mem>>)
    %scan3A_52 = arith.constant 0 : i32
    %scan3A_53 = arith.constant 0 : i32
    %scan3A_54 = arith.constant 26 : i32
    %scan3A_55 = arith.addi %scan3A_53, %scan3A_54 : i32
    %scan3A_56 = arith.constant 1 : i32
    %scan3A_57 = scf.for %scan3A_97 = %scan3A_53 to %scan3A_55 step %scan3A_56 iter_args(%scan3A_98 = %scan3A_52) -> (i32)  : i32 {
      %mul3A_99 = arith.constant 6 : i32
      %mul3A_100 = arith.muli %mul3A_99, %scan3A_97 : i32
      %dma_wait3A_101 = arith.constant 0 : i32
      %dma_wait3A_102 = tpu.memref_slice %arg2[%dma_wait3A_101, %mul3A_0] : memref<320000x128xf32, #tpu.memory_space<hbm>> -> memref<128x64xf32, #tpu.memory_space<hbm>>
      %dma_wait3A_103 = arith.constant 0 : i32
      %dma_wait3A_104 = tpu.memref_slice %arg2[%dma_wait3A_103, %mul3A_0] : memref<320000x128xf32, #tpu.memory_space<hbm>> -> memref<128x64xf32, #tpu.memory_space<hbm>>
      tpu.wait_dma2 semaphore(%arg16 : memref<!tpu.dma_semaphore, #tpu.memory_space<semaphore_mem>>) src(%dma_wait3A_104 : memref<128x64xf32, #tpu.memory_space<hbm>>) dst(%arg6 : memref<128x64xf32, #tpu.memory_space<vmem>>)
      %add3A_105 = arith.constant 0 : i32
      %add3A_106 = arith.addi %mul3A_100, %add3A_105 : i32
      %dma_start3A_107 = arith.constant 0 : i32
      %dma_start3A_108 = tpu.memref_slice %arg12[%add3A_106, %dma_start3A_107] : memref<157x128xi32, #tpu.memory_space<vmem>> -> memref<1x128xi32, #tpu.memory_space<vmem>>
      %dma_start3A_109 = tpu.memref_squeeze %dma_start3A_108 : memref<1x128xi32, #tpu.memory_space<vmem>> -> memref<128xi32, #tpu.memory_space<vmem>>
      %dma_start3A_110 = arith.constant 0 : i32
      %dma_start3A_111 = arith.constant 0 : i32
      %dma_start3A_112 = tpu.memref_slice %arg15[%dma_start3A_110, %dma_start3A_111] : memref<1024x64xf32, #tpu.memory_space<vmem_shared>> -> memref<1024x64xf32, #tpu.memory_space<vmem_shared>>
      tpu.enqueue_indirect_dma source(%arg6 : memref<128x64xf32, #tpu.memory_space<vmem>>) target(%dma_start3A_112 : memref<1024x64xf32, #tpu.memory_space<vmem_shared>>) offsets(%dma_start3A_109 : memref<128xi32, #tpu.memory_space<vmem>>) semaphore(%arg22 : memref<!tpu.dma_semaphore, #tpu.memory_space<semaphore_mem>>) {add = true}
      %dma_wait3A_113 = arith.constant 0 : i32
      %dma_wait3A_114 = tpu.memref_slice %arg2[%dma_wait3A_113, %mul3A_0] : memref<320000x128xf32, #tpu.memory_space<hbm>> -> memref<128x64xf32, #tpu.memory_space<hbm>>
      %dma_wait3A_115 = arith.constant 0 : i32
      %dma_wait3A_116 = tpu.memref_slice %arg2[%dma_wait3A_115, %mul3A_0] : memref<320000x128xf32, #tpu.memory_space<hbm>> -> memref<128x64xf32, #tpu.memory_space<hbm>>
      tpu.wait_dma2 semaphore(%arg17 : memref<!tpu.dma_semaphore, #tpu.memory_space<semaphore_mem>>) src(%dma_wait3A_116 : memref<128x64xf32, #tpu.memory_space<hbm>>) dst(%arg7 : memref<128x64xf32, #tpu.memory_space<vmem>>)
      %add3A_117 = arith.constant 1 : i32
      %add3A_118 = arith.addi %mul3A_100, %add3A_117 : i32
      %dma_start3A_119 = arith.constant 0 : i32
      %dma_start3A_120 = tpu.memref_slice %arg12[%add3A_118, %dma_start3A_119] : memref<157x128xi32, #tpu.memory_space<vmem>> -> memref<1x128xi32, #tpu.memory_space<vmem>>
      %dma_start3A_121 = tpu.memref_squeeze %dma_start3A_120 : memref<1x128xi32, #tpu.memory_space<vmem>> -> memref<128xi32, #tpu.memory_space<vmem>>
      %dma_start3A_122 = arith.constant 0 : i32
      %dma_start3A_123 = arith.constant 0 : i32
      %dma_start3A_124 = tpu.memref_slice %arg15[%dma_start3A_122, %dma_start3A_123] : memref<1024x64xf32, #tpu.memory_space<vmem_shared>> -> memref<1024x64xf32, #tpu.memory_space<vmem_shared>>
      tpu.enqueue_indirect_dma source(%arg7 : memref<128x64xf32, #tpu.memory_space<vmem>>) target(%dma_start3A_124 : memref<1024x64xf32, #tpu.memory_space<vmem_shared>>) offsets(%dma_start3A_121 : memref<128xi32, #tpu.memory_space<vmem>>) semaphore(%arg23 : memref<!tpu.dma_semaphore, #tpu.memory_space<semaphore_mem>>) {add = true}
      %dma_wait3A_125 = arith.constant 0 : i32
      %dma_wait3A_126 = tpu.memref_slice %arg2[%dma_wait3A_125, %mul3A_0] : memref<320000x128xf32, #tpu.memory_space<hbm>> -> memref<128x64xf32, #tpu.memory_space<hbm>>
      %dma_wait3A_127 = arith.constant 0 : i32
      %dma_wait3A_128 = tpu.memref_slice %arg2[%dma_wait3A_127, %mul3A_0] : memref<320000x128xf32, #tpu.memory_space<hbm>> -> memref<128x64xf32, #tpu.memory_space<hbm>>
      tpu.wait_dma2 semaphore(%arg18 : memref<!tpu.dma_semaphore, #tpu.memory_space<semaphore_mem>>) src(%dma_wait3A_128 : memref<128x64xf32, #tpu.memory_space<hbm>>) dst(%arg8 : memref<128x64xf32, #tpu.memory_space<vmem>>)
      %add3A_129 = arith.constant 2 : i32
      %add3A_130 = arith.addi %mul3A_100, %add3A_129 : i32
      %dma_start3A_131 = arith.constant 0 : i32
      %dma_start3A_132 = tpu.memref_slice %arg12[%add3A_130, %dma_start3A_131] : memref<157x128xi32, #tpu.memory_space<vmem>> -> memref<1x128xi32, #tpu.memory_space<vmem>>
      %dma_start3A_133 = tpu.memref_squeeze %dma_start3A_132 : memref<1x128xi32, #tpu.memory_space<vmem>> -> memref<128xi32, #tpu.memory_space<vmem>>
      %dma_start3A_134 = arith.constant 0 : i32
      %dma_start3A_135 = arith.constant 0 : i32
      %dma_start3A_136 = tpu.memref_slice %arg15[%dma_start3A_134, %dma_start3A_135] : memref<1024x64xf32, #tpu.memory_space<vmem_shared>> -> memref<1024x64xf32, #tpu.memory_space<vmem_shared>>
      tpu.enqueue_indirect_dma source(%arg8 : memref<128x64xf32, #tpu.memory_space<vmem>>) target(%dma_start3A_136 : memref<1024x64xf32, #tpu.memory_space<vmem_shared>>) offsets(%dma_start3A_133 : memref<128xi32, #tpu.memory_space<vmem>>) semaphore(%arg24 : memref<!tpu.dma_semaphore, #tpu.memory_space<semaphore_mem>>) {add = true}
      %dma_wait3A_137 = arith.constant 0 : i32
      %dma_wait3A_138 = tpu.memref_slice %arg2[%dma_wait3A_137, %mul3A_0] : memref<320000x128xf32, #tpu.memory_space<hbm>> -> memref<128x64xf32, #tpu.memory_space<hbm>>
      %dma_wait3A_139 = arith.constant 0 : i32
      %dma_wait3A_140 = tpu.memref_slice %arg2[%dma_wait3A_139, %mul3A_0] : memref<320000x128xf32, #tpu.memory_space<hbm>> -> memref<128x64xf32, #tpu.memory_space<hbm>>
      tpu.wait_dma2 semaphore(%arg19 : memref<!tpu.dma_semaphore, #tpu.memory_space<semaphore_mem>>) src(%dma_wait3A_140 : memref<128x64xf32, #tpu.memory_space<hbm>>) dst(%arg9 : memref<128x64xf32, #tpu.memory_space<vmem>>)
      %add3A_141 = arith.constant 3 : i32
      %add3A_142 = arith.addi %mul3A_100, %add3A_141 : i32
      %dma_start3A_143 = arith.constant 0 : i32
      %dma_start3A_144 = tpu.memref_slice %arg12[%add3A_142, %dma_start3A_143] : memref<157x128xi32, #tpu.memory_space<vmem>> -> memref<1x128xi32, #tpu.memory_space<vmem>>
      %dma_start3A_145 = tpu.memref_squeeze %dma_start3A_144 : memref<1x128xi32, #tpu.memory_space<vmem>> -> memref<128xi32, #tpu.memory_space<vmem>>
      %dma_start3A_146 = arith.constant 0 : i32
      %dma_start3A_147 = arith.constant 0 : i32
      %dma_start3A_148 = tpu.memref_slice %arg15[%dma_start3A_146, %dma_start3A_147] : memref<1024x64xf32, #tpu.memory_space<vmem_shared>> -> memref<1024x64xf32, #tpu.memory_space<vmem_shared>>
      tpu.enqueue_indirect_dma source(%arg9 : memref<128x64xf32, #tpu.memory_space<vmem>>) target(%dma_start3A_148 : memref<1024x64xf32, #tpu.memory_space<vmem_shared>>) offsets(%dma_start3A_145 : memref<128xi32, #tpu.memory_space<vmem>>) semaphore(%arg25 : memref<!tpu.dma_semaphore, #tpu.memory_space<semaphore_mem>>) {add = true}
      %dma_wait3A_149 = arith.constant 0 : i32
      %dma_wait3A_150 = tpu.memref_slice %arg2[%dma_wait3A_149, %mul3A_0] : memref<320000x128xf32, #tpu.memory_space<hbm>> -> memref<128x64xf32, #tpu.memory_space<hbm>>
      %dma_wait3A_151 = arith.constant 0 : i32
      %dma_wait3A_152 = tpu.memref_slice %arg2[%dma_wait3A_151, %mul3A_0] : memref<320000x128xf32, #tpu.memory_space<hbm>> -> memref<128x64xf32, #tpu.memory_space<hbm>>
      tpu.wait_dma2 semaphore(%arg20 : memref<!tpu.dma_semaphore, #tpu.memory_space<semaphore_mem>>) src(%dma_wait3A_152 : memref<128x64xf32, #tpu.memory_space<hbm>>) dst(%arg10 : memref<128x64xf32, #tpu.memory_space<vmem>>)
      %add3A_153 = arith.constant 4 : i32
      %add3A_154 = arith.addi %mul3A_100, %add3A_153 : i32
      %dma_start3A_155 = arith.constant 0 : i32
      %dma_start3A_156 = tpu.memref_slice %arg12[%add3A_154, %dma_start3A_155] : memref<157x128xi32, #tpu.memory_space<vmem>> -> memref<1x128xi32, #tpu.memory_space<vmem>>
      %dma_start3A_157 = tpu.memref_squeeze %dma_start3A_156 : memref<1x128xi32, #tpu.memory_space<vmem>> -> memref<128xi32, #tpu.memory_space<vmem>>
      %dma_start3A_158 = arith.constant 0 : i32
      %dma_start3A_159 = arith.constant 0 : i32
      %dma_start3A_160 = tpu.memref_slice %arg15[%dma_start3A_158, %dma_start3A_159] : memref<1024x64xf32, #tpu.memory_space<vmem_shared>> -> memref<1024x64xf32, #tpu.memory_space<vmem_shared>>
      tpu.enqueue_indirect_dma source(%arg10 : memref<128x64xf32, #tpu.memory_space<vmem>>) target(%dma_start3A_160 : memref<1024x64xf32, #tpu.memory_space<vmem_shared>>) offsets(%dma_start3A_157 : memref<128xi32, #tpu.memory_space<vmem>>) semaphore(%arg26 : memref<!tpu.dma_semaphore, #tpu.memory_space<semaphore_mem>>) {add = true}
      %dma_wait3A_161 = arith.constant 0 : i32
      %dma_wait3A_162 = tpu.memref_slice %arg2[%dma_wait3A_161, %mul3A_0] : memref<320000x128xf32, #tpu.memory_space<hbm>> -> memref<128x64xf32, #tpu.memory_space<hbm>>
      %dma_wait3A_163 = arith.constant 0 : i32
      %dma_wait3A_164 = tpu.memref_slice %arg2[%dma_wait3A_163, %mul3A_0] : memref<320000x128xf32, #tpu.memory_space<hbm>> -> memref<128x64xf32, #tpu.memory_space<hbm>>
      tpu.wait_dma2 semaphore(%arg21 : memref<!tpu.dma_semaphore, #tpu.memory_space<semaphore_mem>>) src(%dma_wait3A_164 : memref<128x64xf32, #tpu.memory_space<hbm>>) dst(%arg11 : memref<128x64xf32, #tpu.memory_space<vmem>>)
      %add3A_165 = arith.constant 5 : i32
      %add3A_166 = arith.addi %mul3A_100, %add3A_165 : i32
      %dma_start3A_167 = arith.constant 0 : i32
      %dma_start3A_168 = tpu.memref_slice %arg12[%add3A_166, %dma_start3A_167] : memref<157x128xi32, #tpu.memory_space<vmem>> -> memref<1x128xi32, #tpu.memory_space<vmem>>
      %dma_start3A_169 = tpu.memref_squeeze %dma_start3A_168 : memref<1x128xi32, #tpu.memory_space<vmem>> -> memref<128xi32, #tpu.memory_space<vmem>>
      %dma_start3A_170 = arith.constant 0 : i32
      %dma_start3A_171 = arith.constant 0 : i32
      %dma_start3A_172 = tpu.memref_slice %arg15[%dma_start3A_170, %dma_start3A_171] : memref<1024x64xf32, #tpu.memory_space<vmem_shared>> -> memref<1024x64xf32, #tpu.memory_space<vmem_shared>>
      tpu.enqueue_indirect_dma source(%arg11 : memref<128x64xf32, #tpu.memory_space<vmem>>) target(%dma_start3A_172 : memref<1024x64xf32, #tpu.memory_space<vmem_shared>>) offsets(%dma_start3A_169 : memref<128xi32, #tpu.memory_space<vmem>>) semaphore(%arg27 : memref<!tpu.dma_semaphore, #tpu.memory_space<semaphore_mem>>) {add = true}
      %dma_wait3A_173 = arith.constant 0 : i32
      %dma_wait3A_174 = tpu.memref_slice %arg12[%add3A_106, %dma_wait3A_173] : memref<157x128xi32, #tpu.memory_space<vmem>> -> memref<1x128xi32, #tpu.memory_space<vmem>>
      %dma_wait3A_175 = tpu.memref_squeeze %dma_wait3A_174 : memref<1x128xi32, #tpu.memory_space<vmem>> -> memref<128xi32, #tpu.memory_space<vmem>>
      %dma_wait3A_176 = arith.constant 0 : i32
      %dma_wait3A_177 = arith.constant 0 : i32
      %dma_wait3A_178 = tpu.memref_slice %arg15[%dma_wait3A_176, %dma_wait3A_177] : memref<1024x64xf32, #tpu.memory_space<vmem_shared>> -> memref<1024x64xf32, #tpu.memory_space<vmem_shared>>
      tpu.wait_indirect_dma semaphore(%arg22 : memref<!tpu.dma_semaphore, #tpu.memory_space<semaphore_mem>>) src(%arg6 : memref<128x64xf32, #tpu.memory_space<vmem>>) dst(%dma_wait3A_178 : memref<1024x64xf32, #tpu.memory_space<vmem_shared>>)
      %add3A_179 = arith.constant 6 : i32
      %add3A_180 = arith.addi %mul3A_100, %add3A_179 : i32
      %add3A_181 = arith.constant 0 : i32
      %add3A_182 = arith.addi %add3A_180, %add3A_181 : i32
      %sub3A = arith.constant 1 : i32
      %sub3A_183 = arith.subi %select_n3A, %sub3A : i32
      %min3A_184 = arith.minsi %add3A_182, %sub3A_183 : i32
      %add3A_185 = arith.addi %add3A, %min3A_184 : i32
      %mul3A_186 = arith.constant 128 : i32
      %mul3A_187 = arith.muli %add3A_185, %mul3A_186 : i32
      %dma_start3A_188 = tpu.memref_slice %arg2[%mul3A_187, %mul3A_0] : memref<320000x128xf32, #tpu.memory_space<hbm>> -> memref<128x64xf32, #tpu.memory_space<hbm>>
      %dma_start3A_189 = tpu.memref_slice %arg2[%mul3A_187, %mul3A_0] : memref<320000x128xf32, #tpu.memory_space<hbm>> -> memref<128x64xf32, #tpu.memory_space<hbm>>
      tpu.enqueue_dma source(%dma_start3A_189 : memref<128x64xf32, #tpu.memory_space<hbm>>) target(%arg6 : memref<128x64xf32, #tpu.memory_space<vmem>>) target_semaphore(%arg16 : memref<!tpu.dma_semaphore, #tpu.memory_space<semaphore_mem>>)
      %dma_wait3A_190 = arith.constant 0 : i32
      %dma_wait3A_191 = tpu.memref_slice %arg12[%add3A_118, %dma_wait3A_190] : memref<157x128xi32, #tpu.memory_space<vmem>> -> memref<1x128xi32, #tpu.memory_space<vmem>>
      %dma_wait3A_192 = tpu.memref_squeeze %dma_wait3A_191 : memref<1x128xi32, #tpu.memory_space<vmem>> -> memref<128xi32, #tpu.memory_space<vmem>>
      %dma_wait3A_193 = arith.constant 0 : i32
      %dma_wait3A_194 = arith.constant 0 : i32
      %dma_wait3A_195 = tpu.memref_slice %arg15[%dma_wait3A_193, %dma_wait3A_194] : memref<1024x64xf32, #tpu.memory_space<vmem_shared>> -> memref<1024x64xf32, #tpu.memory_space<vmem_shared>>
      tpu.wait_indirect_dma semaphore(%arg23 : memref<!tpu.dma_semaphore, #tpu.memory_space<semaphore_mem>>) src(%arg7 : memref<128x64xf32, #tpu.memory_space<vmem>>) dst(%dma_wait3A_195 : memref<1024x64xf32, #tpu.memory_space<vmem_shared>>)
      %add3A_196 = arith.constant 6 : i32
      %add3A_197 = arith.addi %mul3A_100, %add3A_196 : i32
      %add3A_198 = arith.constant 1 : i32
      %add3A_199 = arith.addi %add3A_197, %add3A_198 : i32
      %sub3A_200 = arith.constant 1 : i32
      %sub3A_201 = arith.subi %select_n3A, %sub3A_200 : i32
      %min3A_202 = arith.minsi %add3A_199, %sub3A_201 : i32
      %add3A_203 = arith.addi %add3A, %min3A_202 : i32
      %mul3A_204 = arith.constant 128 : i32
      %mul3A_205 = arith.muli %add3A_203, %mul3A_204 : i32
      %dma_start3A_206 = tpu.memref_slice %arg2[%mul3A_205, %mul3A_0] : memref<320000x128xf32, #tpu.memory_space<hbm>> -> memref<128x64xf32, #tpu.memory_space<hbm>>
      %dma_start3A_207 = tpu.memref_slice %arg2[%mul3A_205, %mul3A_0] : memref<320000x128xf32, #tpu.memory_space<hbm>> -> memref<128x64xf32, #tpu.memory_space<hbm>>
      tpu.enqueue_dma source(%dma_start3A_207 : memref<128x64xf32, #tpu.memory_space<hbm>>) target(%arg7 : memref<128x64xf32, #tpu.memory_space<vmem>>) target_semaphore(%arg17 : memref<!tpu.dma_semaphore, #tpu.memory_space<semaphore_mem>>)
      %dma_wait3A_208 = arith.constant 0 : i32
      %dma_wait3A_209 = tpu.memref_slice %arg12[%add3A_130, %dma_wait3A_208] : memref<157x128xi32, #tpu.memory_space<vmem>> -> memref<1x128xi32, #tpu.memory_space<vmem>>
      %dma_wait3A_210 = tpu.memref_squeeze %dma_wait3A_209 : memref<1x128xi32, #tpu.memory_space<vmem>> -> memref<128xi32, #tpu.memory_space<vmem>>
      %dma_wait3A_211 = arith.constant 0 : i32
      %dma_wait3A_212 = arith.constant 0 : i32
      %dma_wait3A_213 = tpu.memref_slice %arg15[%dma_wait3A_211, %dma_wait3A_212] : memref<1024x64xf32, #tpu.memory_space<vmem_shared>> -> memref<1024x64xf32, #tpu.memory_space<vmem_shared>>
      tpu.wait_indirect_dma semaphore(%arg24 : memref<!tpu.dma_semaphore, #tpu.memory_space<semaphore_mem>>) src(%arg8 : memref<128x64xf32, #tpu.memory_space<vmem>>) dst(%dma_wait3A_213 : memref<1024x64xf32, #tpu.memory_space<vmem_shared>>)
      %add3A_214 = arith.constant 6 : i32
      %add3A_215 = arith.addi %mul3A_100, %add3A_214 : i32
      %add3A_216 = arith.constant 2 : i32
      %add3A_217 = arith.addi %add3A_215, %add3A_216 : i32
      %sub3A_218 = arith.constant 1 : i32
      %sub3A_219 = arith.subi %select_n3A, %sub3A_218 : i32
      %min3A_220 = arith.minsi %add3A_217, %sub3A_219 : i32
      %add3A_221 = arith.addi %add3A, %min3A_220 : i32
      %mul3A_222 = arith.constant 128 : i32
      %mul3A_223 = arith.muli %add3A_221, %mul3A_222 : i32
      %dma_start3A_224 = tpu.memref_slice %arg2[%mul3A_223, %mul3A_0] : memref<320000x128xf32, #tpu.memory_space<hbm>> -> memref<128x64xf32, #tpu.memory_space<hbm>>
      %dma_start3A_225 = tpu.memref_slice %arg2[%mul3A_223, %mul3A_0] : memref<320000x128xf32, #tpu.memory_space<hbm>> -> memref<128x64xf32, #tpu.memory_space<hbm>>
      tpu.enqueue_dma source(%dma_start3A_225 : memref<128x64xf32, #tpu.memory_space<hbm>>) target(%arg8 : memref<128x64xf32, #tpu.memory_space<vmem>>) target_semaphore(%arg18 : memref<!tpu.dma_semaphore, #tpu.memory_space<semaphore_mem>>)
      %dma_wait3A_226 = arith.constant 0 : i32
      %dma_wait3A_227 = tpu.memref_slice %arg12[%add3A_142, %dma_wait3A_226] : memref<157x128xi32, #tpu.memory_space<vmem>> -> memref<1x128xi32, #tpu.memory_space<vmem>>
      %dma_wait3A_228 = tpu.memref_squeeze %dma_wait3A_227 : memref<1x128xi32, #tpu.memory_space<vmem>> -> memref<128xi32, #tpu.memory_space<vmem>>
      %dma_wait3A_229 = arith.constant 0 : i32
      %dma_wait3A_230 = arith.constant 0 : i32
      %dma_wait3A_231 = tpu.memref_slice %arg15[%dma_wait3A_229, %dma_wait3A_230] : memref<1024x64xf32, #tpu.memory_space<vmem_shared>> -> memref<1024x64xf32, #tpu.memory_space<vmem_shared>>
      tpu.wait_indirect_dma semaphore(%arg25 : memref<!tpu.dma_semaphore, #tpu.memory_space<semaphore_mem>>) src(%arg9 : memref<128x64xf32, #tpu.memory_space<vmem>>) dst(%dma_wait3A_231 : memref<1024x64xf32, #tpu.memory_space<vmem_shared>>)
      %add3A_232 = arith.constant 6 : i32
      %add3A_233 = arith.addi %mul3A_100, %add3A_232 : i32
      %add3A_234 = arith.constant 3 : i32
      %add3A_235 = arith.addi %add3A_233, %add3A_234 : i32
      %sub3A_236 = arith.constant 1 : i32
      %sub3A_237 = arith.subi %select_n3A, %sub3A_236 : i32
      %min3A_238 = arith.minsi %add3A_235, %sub3A_237 : i32
      %add3A_239 = arith.addi %add3A, %min3A_238 : i32
      %mul3A_240 = arith.constant 128 : i32
      %mul3A_241 = arith.muli %add3A_239, %mul3A_240 : i32
      %dma_start3A_242 = tpu.memref_slice %arg2[%mul3A_241, %mul3A_0] : memref<320000x128xf32, #tpu.memory_space<hbm>> -> memref<128x64xf32, #tpu.memory_space<hbm>>
      %dma_start3A_243 = tpu.memref_slice %arg2[%mul3A_241, %mul3A_0] : memref<320000x128xf32, #tpu.memory_space<hbm>> -> memref<128x64xf32, #tpu.memory_space<hbm>>
      tpu.enqueue_dma source(%dma_start3A_243 : memref<128x64xf32, #tpu.memory_space<hbm>>) target(%arg9 : memref<128x64xf32, #tpu.memory_space<vmem>>) target_semaphore(%arg19 : memref<!tpu.dma_semaphore, #tpu.memory_space<semaphore_mem>>)
      %dma_wait3A_244 = arith.constant 0 : i32
      %dma_wait3A_245 = tpu.memref_slice %arg12[%add3A_154, %dma_wait3A_244] : memref<157x128xi32, #tpu.memory_space<vmem>> -> memref<1x128xi32, #tpu.memory_space<vmem>>
      %dma_wait3A_246 = tpu.memref_squeeze %dma_wait3A_245 : memref<1x128xi32, #tpu.memory_space<vmem>> -> memref<128xi32, #tpu.memory_space<vmem>>
      %dma_wait3A_247 = arith.constant 0 : i32
      %dma_wait3A_248 = arith.constant 0 : i32
      %dma_wait3A_249 = tpu.memref_slice %arg15[%dma_wait3A_247, %dma_wait3A_248] : memref<1024x64xf32, #tpu.memory_space<vmem_shared>> -> memref<1024x64xf32, #tpu.memory_space<vmem_shared>>
      tpu.wait_indirect_dma semaphore(%arg26 : memref<!tpu.dma_semaphore, #tpu.memory_space<semaphore_mem>>) src(%arg10 : memref<128x64xf32, #tpu.memory_space<vmem>>) dst(%dma_wait3A_249 : memref<1024x64xf32, #tpu.memory_space<vmem_shared>>)
      %add3A_250 = arith.constant 6 : i32
      %add3A_251 = arith.addi %mul3A_100, %add3A_250 : i32
      %add3A_252 = arith.constant 4 : i32
      %add3A_253 = arith.addi %add3A_251, %add3A_252 : i32
      %sub3A_254 = arith.constant 1 : i32
      %sub3A_255 = arith.subi %select_n3A, %sub3A_254 : i32
      %min3A_256 = arith.minsi %add3A_253, %sub3A_255 : i32
      %add3A_257 = arith.addi %add3A, %min3A_256 : i32
      %mul3A_258 = arith.constant 128 : i32
      %mul3A_259 = arith.muli %add3A_257, %mul3A_258 : i32
      %dma_start3A_260 = tpu.memref_slice %arg2[%mul3A_259, %mul3A_0] : memref<320000x128xf32, #tpu.memory_space<hbm>> -> memref<128x64xf32, #tpu.memory_space<hbm>>
      %dma_start3A_261 = tpu.memref_slice %arg2[%mul3A_259, %mul3A_0] : memref<320000x128xf32, #tpu.memory_space<hbm>> -> memref<128x64xf32, #tpu.memory_space<hbm>>
      tpu.enqueue_dma source(%dma_start3A_261 : memref<128x64xf32, #tpu.memory_space<hbm>>) target(%arg10 : memref<128x64xf32, #tpu.memory_space<vmem>>) target_semaphore(%arg20 : memref<!tpu.dma_semaphore, #tpu.memory_space<semaphore_mem>>)
      %dma_wait3A_262 = arith.constant 0 : i32
      %dma_wait3A_263 = tpu.memref_slice %arg12[%add3A_166, %dma_wait3A_262] : memref<157x128xi32, #tpu.memory_space<vmem>> -> memref<1x128xi32, #tpu.memory_space<vmem>>
      %dma_wait3A_264 = tpu.memref_squeeze %dma_wait3A_263 : memref<1x128xi32, #tpu.memory_space<vmem>> -> memref<128xi32, #tpu.memory_space<vmem>>
      %dma_wait3A_265 = arith.constant 0 : i32
      %dma_wait3A_266 = arith.constant 0 : i32
      %dma_wait3A_267 = tpu.memref_slice %arg15[%dma_wait3A_265, %dma_wait3A_266] : memref<1024x64xf32, #tpu.memory_space<vmem_shared>> -> memref<1024x64xf32, #tpu.memory_space<vmem_shared>>
      tpu.wait_indirect_dma semaphore(%arg27 : memref<!tpu.dma_semaphore, #tpu.memory_space<semaphore_mem>>) src(%arg11 : memref<128x64xf32, #tpu.memory_space<vmem>>) dst(%dma_wait3A_267 : memref<1024x64xf32, #tpu.memory_space<vmem_shared>>)
      %add3A_268 = arith.constant 6 : i32
      %add3A_269 = arith.addi %mul3A_100, %add3A_268 : i32
      %add3A_270 = arith.constant 5 : i32
      %add3A_271 = arith.addi %add3A_269, %add3A_270 : i32
      %sub3A_272 = arith.constant 1 : i32
      %sub3A_273 = arith.subi %select_n3A, %sub3A_272 : i32
      %min3A_274 = arith.minsi %add3A_271, %sub3A_273 : i32
      %add3A_275 = arith.addi %add3A, %min3A_274 : i32
      %mul3A_276 = arith.constant 128 : i32
      %mul3A_277 = arith.muli %add3A_275, %mul3A_276 : i32
      %dma_start3A_278 = tpu.memref_slice %arg2[%mul3A_277, %mul3A_0] : memref<320000x128xf32, #tpu.memory_space<hbm>> -> memref<128x64xf32, #tpu.memory_space<hbm>>
      %dma_start3A_279 = tpu.memref_slice %arg2[%mul3A_277, %mul3A_0] : memref<320000x128xf32, #tpu.memory_space<hbm>> -> memref<128x64xf32, #tpu.memory_space<hbm>>
      tpu.enqueue_dma source(%dma_start3A_279 : memref<128x64xf32, #tpu.memory_space<hbm>>) target(%arg11 : memref<128x64xf32, #tpu.memory_space<vmem>>) target_semaphore(%arg21 : memref<!tpu.dma_semaphore, #tpu.memory_space<semaphore_mem>>)
      %scan3A_280 = arith.constant 0 : i32
      scf.yield %scan3A_280 : i32
    }
    %scan3A_58 = arith.constant 26 : i32
    %dma_wait3A = arith.constant 0 : i32
    %dma_wait3A_59 = tpu.memref_slice %arg2[%dma_wait3A, %mul3A_0] : memref<320000x128xf32, #tpu.memory_space<hbm>> -> memref<128x64xf32, #tpu.memory_space<hbm>>
    %dma_wait3A_60 = arith.constant 0 : i32
    %dma_wait3A_61 = tpu.memref_slice %arg2[%dma_wait3A_60, %mul3A_0] : memref<320000x128xf32, #tpu.memory_space<hbm>> -> memref<128x64xf32, #tpu.memory_space<hbm>>
    tpu.wait_dma2 semaphore(%arg16 : memref<!tpu.dma_semaphore, #tpu.memory_space<semaphore_mem>>) src(%dma_wait3A_61 : memref<128x64xf32, #tpu.memory_space<hbm>>) dst(%arg6 : memref<128x64xf32, #tpu.memory_space<vmem>>)
    %dma_wait3A_62 = arith.constant 0 : i32
    %dma_wait3A_63 = tpu.memref_slice %arg2[%dma_wait3A_62, %mul3A_0] : memref<320000x128xf32, #tpu.memory_space<hbm>> -> memref<128x64xf32, #tpu.memory_space<hbm>>
    %dma_wait3A_64 = arith.constant 0 : i32
    %dma_wait3A_65 = tpu.memref_slice %arg2[%dma_wait3A_64, %mul3A_0] : memref<320000x128xf32, #tpu.memory_space<hbm>> -> memref<128x64xf32, #tpu.memory_space<hbm>>
    tpu.wait_dma2 semaphore(%arg17 : memref<!tpu.dma_semaphore, #tpu.memory_space<semaphore_mem>>) src(%dma_wait3A_65 : memref<128x64xf32, #tpu.memory_space<hbm>>) dst(%arg7 : memref<128x64xf32, #tpu.memory_space<vmem>>)
    %dma_wait3A_66 = arith.constant 0 : i32
    %dma_wait3A_67 = tpu.memref_slice %arg2[%dma_wait3A_66, %mul3A_0] : memref<320000x128xf32, #tpu.memory_space<hbm>> -> memref<128x64xf32, #tpu.memory_space<hbm>>
    %dma_wait3A_68 = arith.constant 0 : i32
    %dma_wait3A_69 = tpu.memref_slice %arg2[%dma_wait3A_68, %mul3A_0] : memref<320000x128xf32, #tpu.memory_space<hbm>> -> memref<128x64xf32, #tpu.memory_space<hbm>>
    tpu.wait_dma2 semaphore(%arg18 : memref<!tpu.dma_semaphore, #tpu.memory_space<semaphore_mem>>) src(%dma_wait3A_69 : memref<128x64xf32, #tpu.memory_space<hbm>>) dst(%arg8 : memref<128x64xf32, #tpu.memory_space<vmem>>)
    %dma_wait3A_70 = arith.constant 0 : i32
    %dma_wait3A_71 = tpu.memref_slice %arg2[%dma_wait3A_70, %mul3A_0] : memref<320000x128xf32, #tpu.memory_space<hbm>> -> memref<128x64xf32, #tpu.memory_space<hbm>>
    %dma_wait3A_72 = arith.constant 0 : i32
    %dma_wait3A_73 = tpu.memref_slice %arg2[%dma_wait3A_72, %mul3A_0] : memref<320000x128xf32, #tpu.memory_space<hbm>> -> memref<128x64xf32, #tpu.memory_space<hbm>>
    tpu.wait_dma2 semaphore(%arg19 : memref<!tpu.dma_semaphore, #tpu.memory_space<semaphore_mem>>) src(%dma_wait3A_73 : memref<128x64xf32, #tpu.memory_space<hbm>>) dst(%arg9 : memref<128x64xf32, #tpu.memory_space<vmem>>)
    %dma_wait3A_74 = arith.constant 0 : i32
    %dma_wait3A_75 = tpu.memref_slice %arg2[%dma_wait3A_74, %mul3A_0] : memref<320000x128xf32, #tpu.memory_space<hbm>> -> memref<128x64xf32, #tpu.memory_space<hbm>>
    %dma_wait3A_76 = arith.constant 0 : i32
    %dma_wait3A_77 = tpu.memref_slice %arg2[%dma_wait3A_76, %mul3A_0] : memref<320000x128xf32, #tpu.memory_space<hbm>> -> memref<128x64xf32, #tpu.memory_space<hbm>>
    tpu.wait_dma2 semaphore(%arg20 : memref<!tpu.dma_semaphore, #tpu.memory_space<semaphore_mem>>) src(%dma_wait3A_77 : memref<128x64xf32, #tpu.memory_space<hbm>>) dst(%arg10 : memref<128x64xf32, #tpu.memory_space<vmem>>)
    %dma_wait3A_78 = arith.constant 0 : i32
    %dma_wait3A_79 = tpu.memref_slice %arg2[%dma_wait3A_78, %mul3A_0] : memref<320000x128xf32, #tpu.memory_space<hbm>> -> memref<128x64xf32, #tpu.memory_space<hbm>>
    %dma_wait3A_80 = arith.constant 0 : i32
    %dma_wait3A_81 = tpu.memref_slice %arg2[%dma_wait3A_80, %mul3A_0] : memref<320000x128xf32, #tpu.memory_space<hbm>> -> memref<128x64xf32, #tpu.memory_space<hbm>>
    tpu.wait_dma2 semaphore(%arg21 : memref<!tpu.dma_semaphore, #tpu.memory_space<semaphore_mem>>) src(%dma_wait3A_81 : memref<128x64xf32, #tpu.memory_space<hbm>>) dst(%arg11 : memref<128x64xf32, #tpu.memory_space<vmem>>)
    %lt3A_82 = arith.constant 4 : i32
    %lt3A_83 = arith.cmpi slt, %arg1, %lt3A_82 : i32
    %convert_element_type3A_84 = arith.extui %lt3A_83 : i1 to i32
    %cond3A_85 = arith.constant 0 : i32
    %cond3A_86 = arith.cmpi ne, %convert_element_type3A_84, %cond3A_85 : i32
    scf.if %cond3A_86 {
      %run_scoped3A = arith.constant 156 : i32
      "tpu.region"() ({
        %run_scoped3A_97 = tpu.sem_alloc : memref<!tpu.dma_semaphore, #tpu.memory_space<semaphore_mem>>
        %dma_start3A_98 = arith.constant 0 : i32
        %dma_start3A_99 = tpu.memref_slice %arg12[%run_scoped3A, %dma_start3A_98] : memref<157x128xi32, #tpu.memory_space<vmem>> -> memref<1x128xi32, #tpu.memory_space<vmem>>
        %dma_start3A_100 = tpu.memref_squeeze %dma_start3A_99 : memref<1x128xi32, #tpu.memory_space<vmem>> -> memref<128xi32, #tpu.memory_space<vmem>>
        %dma_start3A_101 = arith.constant 0 : i32
        %dma_start3A_102 = arith.constant 0 : i32
        %dma_start3A_103 = tpu.memref_slice %arg15[%dma_start3A_101, %dma_start3A_102] : memref<1024x64xf32, #tpu.memory_space<vmem_shared>> -> memref<1024x64xf32, #tpu.memory_space<vmem_shared>>
        tpu.enqueue_indirect_dma source(%arg6 : memref<128x64xf32, #tpu.memory_space<vmem>>) target(%dma_start3A_103 : memref<1024x64xf32, #tpu.memory_space<vmem_shared>>) offsets(%dma_start3A_100 : memref<128xi32, #tpu.memory_space<vmem>>) semaphore(%run_scoped3A_97 : memref<!tpu.dma_semaphore, #tpu.memory_space<semaphore_mem>>) {add = true}
        %dma_wait3A_104 = arith.constant 0 : i32
        %dma_wait3A_105 = tpu.memref_slice %arg12[%run_scoped3A, %dma_wait3A_104] : memref<157x128xi32, #tpu.memory_space<vmem>> -> memref<1x128xi32, #tpu.memory_space<vmem>>
        %dma_wait3A_106 = tpu.memref_squeeze %dma_wait3A_105 : memref<1x128xi32, #tpu.memory_space<vmem>> -> memref<128xi32, #tpu.memory_space<vmem>>
        %dma_wait3A_107 = arith.constant 0 : i32
        %dma_wait3A_108 = arith.constant 0 : i32
        %dma_wait3A_109 = tpu.memref_slice %arg15[%dma_wait3A_107, %dma_wait3A_108] : memref<1024x64xf32, #tpu.memory_space<vmem_shared>> -> memref<1024x64xf32, #tpu.memory_space<vmem_shared>>
        tpu.wait_indirect_dma semaphore(%run_scoped3A_97 : memref<!tpu.dma_semaphore, #tpu.memory_space<semaphore_mem>>) src(%arg6 : memref<128x64xf32, #tpu.memory_space<vmem>>) dst(%dma_wait3A_109 : memref<1024x64xf32, #tpu.memory_space<vmem_shared>>)
        tpu.yield
      }) : () -> ()
    } else {
    }
    %barrier3A_87 = arith.constant 0 : index
    tpu.barrier barrier_id(%barrier3A_87)
    %mul3A_88 = arith.constant 64 : i32
    %mul3A_89 = arith.muli %arg1, %mul3A_88 : i32
    "tpu.region"() ({
      %run_scoped3A = tpu.sem_alloc : memref<!tpu.dma_semaphore, #tpu.memory_space<semaphore_mem>>
      %dma_start3A_97 = arith.constant 0 : i32
      %dma_start3A_98 = tpu.memref_slice %arg15[%mul3A_89, %dma_start3A_97] : memref<1024x64xf32, #tpu.memory_space<vmem_shared>> -> memref<64x64xf32, #tpu.memory_space<vmem_shared>>
      %dma_start3A_99 = arith.constant 0 : i32
      %dma_start3A_100 = tpu.memref_slice %arg15[%mul3A_89, %dma_start3A_99] : memref<1024x64xf32, #tpu.memory_space<vmem_shared>> -> memref<64x64xf32, #tpu.memory_space<vmem_shared>>
      tpu.enqueue_dma source(%dma_start3A_100 : memref<64x64xf32, #tpu.memory_space<vmem_shared>>) target(%arg13 : memref<64x64xf32, #tpu.memory_space<vmem>>) target_semaphore(%run_scoped3A : memref<!tpu.dma_semaphore, #tpu.memory_space<semaphore_mem>>)
      %dma_wait3A_101 = arith.constant 0 : i32
      %dma_wait3A_102 = tpu.memref_slice %arg15[%mul3A_89, %dma_wait3A_101] : memref<1024x64xf32, #tpu.memory_space<vmem_shared>> -> memref<64x64xf32, #tpu.memory_space<vmem_shared>>
      %dma_wait3A_103 = arith.constant 0 : i32
      %dma_wait3A_104 = tpu.memref_slice %arg15[%mul3A_89, %dma_wait3A_103] : memref<1024x64xf32, #tpu.memory_space<vmem_shared>> -> memref<64x64xf32, #tpu.memory_space<vmem_shared>>
      tpu.wait_dma2 semaphore(%run_scoped3A : memref<!tpu.dma_semaphore, #tpu.memory_space<semaphore_mem>>) src(%dma_wait3A_104 : memref<64x64xf32, #tpu.memory_space<vmem_shared>>) dst(%arg13 : memref<64x64xf32, #tpu.memory_space<vmem>>)
      tpu.yield
    }) : () -> ()
    "tpu.region"() ({
      %run_scoped3A = tpu.sem_alloc : memref<!tpu.dma_semaphore, #tpu.memory_space<semaphore_mem>>
      %dma_start3A_97 = tpu.memref_slice %arg4[%mul3A_89] : memref<1024xf32, #tpu.memory_space<hbm>> -> memref<64xf32, #tpu.memory_space<hbm>>
      %dma_start3A_98 = tpu.memref_slice %arg4[%mul3A_89] : memref<1024xf32, #tpu.memory_space<hbm>> -> memref<64xf32, #tpu.memory_space<hbm>>
      tpu.enqueue_dma source(%dma_start3A_98 : memref<64xf32, #tpu.memory_space<hbm>>) target(%arg14 : memref<64xf32, #tpu.memory_space<vmem>>) target_semaphore(%run_scoped3A : memref<!tpu.dma_semaphore, #tpu.memory_space<semaphore_mem>>)
      %dma_wait3A_99 = tpu.memref_slice %arg4[%mul3A_89] : memref<1024xf32, #tpu.memory_space<hbm>> -> memref<64xf32, #tpu.memory_space<hbm>>
      %dma_wait3A_100 = tpu.memref_slice %arg4[%mul3A_89] : memref<1024xf32, #tpu.memory_space<hbm>> -> memref<64xf32, #tpu.memory_space<hbm>>
      tpu.wait_dma2 semaphore(%run_scoped3A : memref<!tpu.dma_semaphore, #tpu.memory_space<semaphore_mem>>) src(%dma_wait3A_100 : memref<64xf32, #tpu.memory_space<hbm>>) dst(%arg14 : memref<64xf32, #tpu.memory_space<vmem>>)
      tpu.yield
    }) : () -> ()
    %scan3A_90 = arith.constant 0 : i32
    %scan3A_91 = arith.constant 0 : i32
    %scan3A_92 = arith.constant 64 : i32
    %scan3A_93 = arith.addi %scan3A_91, %scan3A_92 : i32
    %scan3A_94 = arith.constant 1 : i32
    %scan3A_95 = scf.for %scan3A_97 = %scan3A_91 to %scan3A_93 step %scan3A_94 iter_args(%scan3A_98 = %scan3A_90) -> (i32)  : i32 {
      %broadcast_in_dim3A = vector.broadcast %scan3A_97 : i32 to vector<16xi32>
      %gather3A = tpu.vector_load_idx %arg14[%broadcast_in_dim3A] : memref<64xf32, #tpu.memory_space<vmem>>[vector<16xi32>], vector<16xf32>,
      %get3A = arith.index_cast %scan3A_97 : i32 to index
      %get3A_99 = arith.constant 0 : index
      %get3A_100 = tpu.vector_load %arg13[%get3A, %get3A_99] {strides = array<i32>} : memref<64x64xf32, #tpu.memory_space<vmem>>, vector<16xf32>,
      %div3A = arith.divf %get3A_100, %gather3A : vector<16xf32>
      %swap3A = arith.index_cast %scan3A_97 : i32 to index
      %swap3A_101 = arith.constant 0 : index
      %swap3A_102 = tpu.vector_load %arg13[%swap3A, %swap3A_101] {strides = array<i32>} : memref<64x64xf32, #tpu.memory_space<vmem>>, vector<16xf32>,
      tpu.vector_store %arg13[%swap3A, %swap3A_101], %div3A {strides = array<i32>} : memref<64x64xf32, #tpu.memory_space<vmem>>, vector<16xf32>,
      %get3A_103 = arith.index_cast %scan3A_97 : i32 to index
      %get3A_104 = arith.constant 16 : index
      %get3A_105 = tpu.vector_load %arg13[%get3A_103, %get3A_104] {strides = array<i32>} : memref<64x64xf32, #tpu.memory_space<vmem>>, vector<16xf32>,
      %div3A_106 = arith.divf %get3A_105, %gather3A : vector<16xf32>
      %swap3A_107 = arith.index_cast %scan3A_97 : i32 to index
      %swap3A_108 = arith.constant 16 : index
      %swap3A_109 = tpu.vector_load %arg13[%swap3A_107, %swap3A_108] {strides = array<i32>} : memref<64x64xf32, #tpu.memory_space<vmem>>, vector<16xf32>,
      tpu.vector_store %arg13[%swap3A_107, %swap3A_108], %div3A_106 {strides = array<i32>} : memref<64x64xf32, #tpu.memory_space<vmem>>, vector<16xf32>,
      %get3A_110 = arith.index_cast %scan3A_97 : i32 to index
      %get3A_111 = arith.constant 32 : index
      %get3A_112 = tpu.vector_load %arg13[%get3A_110, %get3A_111] {strides = array<i32>} : memref<64x64xf32, #tpu.memory_space<vmem>>, vector<16xf32>,
      %div3A_113 = arith.divf %get3A_112, %gather3A : vector<16xf32>
      %swap3A_114 = arith.index_cast %scan3A_97 : i32 to index
      %swap3A_115 = arith.constant 32 : index
      %swap3A_116 = tpu.vector_load %arg13[%swap3A_114, %swap3A_115] {strides = array<i32>} : memref<64x64xf32, #tpu.memory_space<vmem>>, vector<16xf32>,
      tpu.vector_store %arg13[%swap3A_114, %swap3A_115], %div3A_113 {strides = array<i32>} : memref<64x64xf32, #tpu.memory_space<vmem>>, vector<16xf32>,
      %get3A_117 = arith.index_cast %scan3A_97 : i32 to index
      %get3A_118 = arith.constant 48 : index
      %get3A_119 = tpu.vector_load %arg13[%get3A_117, %get3A_118] {strides = array<i32>} : memref<64x64xf32, #tpu.memory_space<vmem>>, vector<16xf32>,
      %div3A_120 = arith.divf %get3A_119, %gather3A : vector<16xf32>
      %swap3A_121 = arith.index_cast %scan3A_97 : i32 to index
      %swap3A_122 = arith.constant 48 : index
      %swap3A_123 = tpu.vector_load %arg13[%swap3A_121, %swap3A_122] {strides = array<i32>} : memref<64x64xf32, #tpu.memory_space<vmem>>, vector<16xf32>,
      tpu.vector_store %arg13[%swap3A_121, %swap3A_122], %div3A_120 {strides = array<i32>} : memref<64x64xf32, #tpu.memory_space<vmem>>, vector<16xf32>,
      %scan3A_124 = arith.constant 0 : i32
      scf.yield %scan3A_124 : i32
    }
    %scan3A_96 = arith.constant 64 : i32
    "tpu.region"() ({
      %run_scoped3A = tpu.sem_alloc : memref<!tpu.dma_semaphore, #tpu.memory_space<semaphore_mem>>
      %dma_start3A_97 = tpu.memref_slice %arg5[%mul3A_89, %mul3A_0] : memref<1024x128xf32, #tpu.memory_space<hbm>> -> memref<64x64xf32, #tpu.memory_space<hbm>>
      %dma_start3A_98 = tpu.memref_slice %arg5[%mul3A_89, %mul3A_0] : memref<1024x128xf32, #tpu.memory_space<hbm>> -> memref<64x64xf32, #tpu.memory_space<hbm>>
      tpu.enqueue_dma source(%arg13 : memref<64x64xf32, #tpu.memory_space<vmem>>) target(%dma_start3A_98 : memref<64x64xf32, #tpu.memory_space<hbm>>) target_semaphore(%run_scoped3A : memref<!tpu.dma_semaphore, #tpu.memory_space<semaphore_mem>>)
      %dma_wait3A_99 = tpu.memref_slice %arg5[%mul3A_89, %mul3A_0] : memref<1024x128xf32, #tpu.memory_space<hbm>> -> memref<64x64xf32, #tpu.memory_space<hbm>>
      %dma_wait3A_100 = tpu.memref_slice %arg5[%mul3A_89, %mul3A_0] : memref<1024x128xf32, #tpu.memory_space<hbm>> -> memref<64x64xf32, #tpu.memory_space<hbm>>
      tpu.wait_dma2 semaphore(%run_scoped3A : memref<!tpu.dma_semaphore, #tpu.memory_space<semaphore_mem>>) src(%arg13 : memref<64x64xf32, #tpu.memory_space<vmem>>) dst(%dma_wait3A_100 : memref<64x64xf32, #tpu.memory_space<hbm>>)
      tpu.yield
    }) : () -> ()
    return
  }
}

</mosaic_0001>

<sc_bundles>
// kernel: _pool.3.cloned.1.call-start
scs
__scs_entry_jumppad:
0x0: {  	(pc) =	sbr.rel $0x88, $3  }
0x1: {  	(tag) =	ssettag $0x0;
	lr =	simm.s32 $0x1  }
0x2: {  	[smem:$0x3F9E] =	sst lr;
	_ =	strace $0xD0000000  }
0x3: {  	_ = 	snop  }
0x4: {  	_ = 	snop  }
0x5: {  	_ = 	snop  }
0x6: {  	_ = 	snop  }
0x7: {  	_ = 	snop  }
__scs_overlays_trampoline_lowered:
0x8: {  	[smem:$0x3FAD] =	sst s0  }
0x9: {  	[smem:$0x3FAE] =	sst s1  }
0xa: {  	[smem:$0x3FAF] =	sst s2  }
0xb: {  	[smem:$0x3FB0] =	sst s3  }
0xc: {  	[smem:$0x3FB1] =	sst s4  }
0xd: {  	[smem:$0x3FB2] =	sst s5  }
0xe: {  	[smem:$0x3FB3] =	sst s6  }
0xf: {  	[smem:$0x3FB4] =	sst s7  }
0x10: {  	[smem:$0x3FB5] =	sst s8  }
0x11: {  	[smem:$0x3FB6] =	sst s9;
	s0 =	simm.s32 @!p0 $0x0  }
0x12: {  	s1 =	sld [smem:$0x3F9C];
	s0 =	simm.s32 @p0 $0x1  }
0x13: {  	[smem:$0x3FB7] =	sst s0;
	s0 =	simm.s32 @!p1 $0x0  }
0x14: {  	s2 =	sld [smem:$0x3F9B];
	s0 =	simm.s32 @p1 $0x1  }
0x15: {  	[smem:$0x3FB8] =	sst s0;
	s0 =	simm.s32 @!p2 $0x0  }
0x16: {  	s3 =	sld [smem:$0x3FDB];
	s0 =	simm.s32 @p2 $0x1  }
0x17: {  	s4 =	simm.s32 $0x1BF5;
	[smem:$0x3FBA] =	sst s0  }
0x18: {  	s0 =	sld [smem:$0x3F9D];
	_ =	swait.ge [sflag:s4], $0x0  }
0x19: {  	s7 =	sld [smem:$0x3F9E]  }
0x1a: {  	s8 =	sadd.s32 $0xFFFFE003, lr  }
0x1b: {  	s9 =	sadd.s32 $0xFFFFFEF7, lr;
	s5 =	simm.s32 $0xFFFFFFFF;
	p2 =	slt.u32 s8, $0xFFFFF086  }
0x1c: {  	p1 =	slt.u32 s9, $0xF7A;
	s5 =	simm.s32 @!p2 $0x0  }
0x1d: {  	s5 =	simm.s32 @p1 $0x1;
	p0 =	seq.s32 s7, s2  }
0x1e: {  	s7 =	smul.u32 @!p0 $0xF7A, s2;
	p2 =	seq.s32 @!p0 s5, $0x0  }
0x1f: {  	s9 =	smul.u32 $0xF7A, s1;
	s8 =	simm.s32 @!p0 $0x1BF5;
	p2 =	por !p2, p0  }
0x20: {  	[sflag:s8] =	ssyncset.s32 @!p0 $0xFFFFF086;
	s6 =	sadd.s32 @!p0 s3, s7;
	s7 =	simm.s32 @!p0 $0x108  }
0x21: {  	s3 =	sadd.s32 s3, s9;
	s6 =	sadd.s32 @!p0 $0x88, s6;
	s7 =	simm.s32 @p2 $0x1082  }
0x22: {  	[simem:s7], [sflag:s8] =	dma.local @!p0 [hbm:s6], $0xF7A  }
0x23: {  	s9 =	sor.u32 $0xD0000000, s2;
	s6 =	simm.s32 $0x108;
	_ =	swait.ge @!p0 [sflag:s8], $0x0  }
0x24: {  	s3 =	sadd.s32 $0x88, s3;
	s6 =	simm.s32 @!p1 $0x1082;
	[sflag:s4] =	ssyncset.s32 $0xFFFFF086  }
0x25: {  	[simem:s6], [sflag:s4] =	dma.local [hbm:s3], $0xF7A  }
0x26: {  	[smem:$0x3F9E] =	sst s1;
	(tag) =	ssettag s2;
	_ =	strace s9  }
0x27: {  	s1 =	sld [smem:$0x3FAE]  }
0x28: {  	s2 =	sld [smem:$0x3FAF]  }
0x29: {  	s4 =	sld [smem:$0x3FB1]  }
0x2a: {  	p0 =	seq.s32 s5, $0x0;
	s5 =	sld [smem:$0x3FB2]  }
0x2b: {  	s6 =	sld [smem:$0x3FB3]  }
0x2c: {  	s7 =	sld [smem:$0x3FB4]  }
0x2d: {  	s3 =	simm.s32 $0x108;
	s8 =	sld [smem:$0x3FB5]  }
0x2e: {  	s3 =	simm.s32 @!p0 $0x1082;
	s9 =	sld [smem:$0x3FB6]  }
0x2f: {  	lr =	sadd.s32 s0, s3;
	s0 =	sld [smem:$0x3FAD]  }
0x30: {  	s3 =	sld [smem:$0x3FB0]  }
0x31: {  	[smem:$0x3FB9] =	sst s10  }
0x32: {  	s10 =	sld [smem:$0x3FB7];
	_ =	sdelay $0x3  }
0x33: {  	p0 =	seq.s32 s10, $0x1;
	s10 =	sld [smem:$0x3FB9];
	_ =	sdelay $0x3  }
0x34: {  	[smem:$0x3FB9] =	sst s10  }
0x35: {  	s10 =	sld [smem:$0x3FB8];
	_ =	sdelay $0x3  }
0x36: {  	p1 =	seq.s32 s10, $0x1;
	s10 =	sld [smem:$0x3FB9];
	_ =	sdelay $0x3  }
0x37: {  	[smem:$0x3FB9] =	sst s10  }
0x38: {  	s10 =	sld [smem:$0x3FBA]  }
0x39: {  	_ = 	snop;
	(pc) =	sbr.ind lr, $3  }
0x3a: {  	_ = 	snop  }
0x3b: {  	_ = 	snop  }
0x3c: {  	p2 =	seq.s32 s10, $0x1;
	s10 =	sld [smem:$0x3FB9]  }
0x3d: {  	_ =	shalt  }
0x3e: {  	_ =	shalt  }
0x3f: {  	_ =	shalt  }
0x40: {  	_ =	shalt  }
0x41: {  	_ =	shalt  }
0x42: {  	_ =	shalt  }
0x43: {  	_ =	shalt  }
0x44: {  	_ =	shalt  }
0x45: {  	_ =	shalt  }
0x46: {  	_ =	shalt  }
0x47: {  	_ =	shalt  }
0x48: {  	_ =	shalt  }
0x49: {  	_ =	shalt  }
0x4a: {  	_ =	shalt  }
0x4b: {  	_ =	shalt  }
0x4c: {  	_ =	shalt  }
0x4d: {  	_ =	shalt  }
0x4e: {  	_ =	shalt  }
0x4f: {  	_ =	shalt  }
0x50: {  	_ =	shalt  }
0x51: {  	_ =	shalt  }
0x52: {  	_ =	shalt  }
0x53: {  	_ =	shalt  }
0x54: {  	_ =	shalt  }
0x55: {  	_ =	shalt  }
0x56: {  	_ =	shalt  }
0x57: {  	_ =	shalt  }
0x58: {  	_ =	shalt  }
0x59: {  	_ =	shalt  }
0x5a: {  	_ =	shalt  }
0x5b: {  	_ =	shalt  }
0x5c: {  	_ =	shalt  }
0x5d: {  	_ =	shalt  }
0x5e: {  	_ =	shalt  }
0x5f: {  	_ =	shalt  }
0x60: {  	_ =	shalt  }
0x61: {  	_ =	shalt  }
0x62: {  	_ =	shalt  }
0x63: {  	_ =	shalt  }
0x64: {  	_ =	shalt  }
0x65: {  	_ =	shalt  }
0x66: {  	_ =	shalt  }
0x67: {  	_ =	shalt  }
0x68: {  	_ =	shalt  }
0x69: {  	_ =	shalt  }
0x6a: {  	_ =	shalt  }
0x6b: {  	_ =	shalt  }
0x6c: {  	_ =	shalt  }
0x6d: {  	_ =	shalt  }
0x6e: {  	_ =	shalt  }
0x6f: {  	_ =	shalt  }
0x70: {  	_ =	shalt  }
0x71: {  	_ =	shalt  }
0x72: {  	_ =	shalt  }
0x73: {  	_ =	shalt  }
0x74: {  	_ =	shalt  }
0x75: {  	_ =	shalt  }
0x76: {  	_ =	shalt  }
0x77: {  	_ =	shalt  }
0x78: {  	_ =	shalt  }
0x79: {  	_ =	shalt  }
0x7a: {  	_ =	shalt  }
0x7b: {  	_ =	shalt  }
0x7c: {  	_ =	shalt  }
0x7d: {  	_ =	shalt  }
0x7e: {  	_ =	shalt  }
0x7f: {  	_ =	shalt  }
0x80: {  	_ =	shalt  }
0x81: {  	_ =	shalt  }
0x82: {  	_ =	shalt  }
0x83: {  	_ =	shalt  }
0x84: {  	_ =	shalt  }
0x85: {  	_ =	shalt  }
0x86: {  	_ =	shalt  }
0x87: {  	_ =	shalt  }
.Lfunc_end0:
.L_simem_size_0:
called_computation_lowered:
.L_overlay_start_0:
0x88: {  	s2 =	sld [smem:$0x3FD9]  }
0x89: {  	s3 =	sld [smem:$0x3FFE];
	_ =	sdelay $0x1  }
0x8a: {  	s1 =	srdreg.scid  }
0x8b: {  	s0 =	sand.u32 $0x1, s1  }
0x8c: {  	s18 =	sshll.u32 s0, $0xA;
	s2 =	sadd.s32 s3, s2  }
0x8d: {  	s2 =	sadd.s32 s2, s18  }
0x8e: {  	[smem:$0x3FC5] =	sst s2  }
0x8f: {  	_ = 	snop  }
0x90: {  	s2 =	sld [smem:$0x3FC9]  }
0x91: {  	s19 =	sld [smem:$0x3FC8]  }
0x92: {  	s4 =	sld [smem:$0x3FC7]  }
0x93: {  	s5 =	sld [smem:$0x3FD0];
	(tm) =	ssettm $0x1  }
0x94: {  	s6 =	sld [smem:$0x3FFB];
	_ =	sdelay $0x3  }
0x95: {  	_ =	strace s6  }
0x96: {  	s6 =	sld [smem:$0x3FFC];
	_ =	sdelay $0x3  }
0x97: {  	_ =	strace s6  }
0x98: {  	s6 =	sld [smem:$0x3FFD];
	_ =	sdelay $0x3  }
0x99: {  	_ =	strace s6  }
0x9a: {  	_ =	strace $0x8FFFFFFF  }
0x9b: {  	s20 =	sld [smem:$0x3FDB];
	_ =	sdelay $0x1  }
0x9c: {  	s7 =	simm.s32 $_scs_section_size  }
0x9d: {  	s8 =	simm.s32 $_size__tile_overlayer_lowered;
	s9 =	simm.s32 $_tile_overlayer_lowered  }
0x9e: {  	s23 =	simm.s32 $0x1BFF;
	s22 =	sshll.u32 s9, $0x1;
	s6 =	sadd.s32 s7, s20  }
0x9f: {  	s10 =	simm.s32 $0x0;
	s21 =	sshll.u32 s8, $0x1;
	s8 =	sadd.s32 s22, s6  }
0xa0: {  	[timem:s10], [sflag:s23] =	dma.local [hbm:s8], s21  }
0xa1: {  	_ =	swait.ge [sflag:s23], s21  }
0xa2: {  	s7 =	ssub.s32 $0x0, s21;
	[sflag:s23] =	ssyncset.done $0x0  }
0xa3: {  	[sflag:s23] =	ssyncadd.s32 s7;
	_ =	sdelay $0x1  }
0xa4: {  	s24 =	simm.s32 $0x1B8B  }
0xa5: {  	_ =	swait.ge [sflag:s24], $0x1  }
0xa6: {  	[sflag:s24] =	ssyncset.done $0x0  }
0xa7: {  	s25 =	simm.s32 $0x1B8E;
	[sflag:s24] =	ssyncadd.s32 $0xFFFFFFFF  }
0xa8: {  	s26 =	simm.s32 $execute0_lowered;
	[smem:$0x3FD2] =	sst s25  }
0xa9: {  	s7 =	sshll.u32 s26, $0x1;
	_ =	strace $0x80000046;
	[dreg:$0x1] =	wrdreg $0xFFFFFFFF  }
0xaa: {  	s28 =	simm.s32 $_size_execute0_lowered;
	s6 =	sadd.s32 s6, s7;
	[dreg:$0x0] =	wrdreg $0x0  }
0xab: {  	s7 =	sshll.u32 s28, $0x1;
	[dreg:$0x2] =	wrdreg s6  }
0xac: {  	[dreg:$0x3] =	wrdreg s7  }
0xad: {  	[dreg:$0x4] =	wrdreg $0xC0  }
0xae: {  	_ =	task [dreg:s10], $0x5FFFF  }
0xaf: {  	[dreg:$0x1] =	wrdreg $0xFFFFFFFF  }
0xb0: {  	[dreg:$0x0] =	wrdreg $0x60  }
0xb1: {  	[dreg:$0x2] =	wrdreg s2  }
0xb2: {  	[dreg:$0x3] =	wrdreg s19  }
0xb3: {  	[dreg:$0x4] =	wrdreg s4  }
0xb4: {  	[dreg:$0x5] =	wrdreg s5  }
0xb5: {  	[dreg:$0x6] =	wrdreg $0x11EC00  }
0xb6: {  	[dreg:$0x7] =	wrdreg $0x9  }
0xb7: {  	_ =	task.clear_ibuf [dreg:s10], $0x8FFFF;
	_ =	strace $0x90000046  }
0xb8: {  	s29 =	simm.s32 $0x9;
	_ =	strace $0x80000048  }
0xb9: {  	_ =	swait.ge [sflag:s29], $0x1  }
0xba: {  	[sflag:s29] =	ssyncadd.s32 $0xFFFFFFFF  }
0xbb: {  	_ =	strace $0x90000048  }
0xbc: {  	_ =	sfence  }
0xbd: {  	s30 =	sld [smem:$0x0];
	_ =	sdelay $0x2  }
0xbe: {  	s31 =	sshll.u32 s1, $0xD;
	s1 =	sshrl.u32 s1, $0x2  }
0xbf: {  	s3 =	sand.u32 $0x4000, s31;
	s1 =	sadd.s32 s1, s30  }
0xc0: {  	s0 =	sor.u32 s3, s0;
	s1 =	sshll.u32 s1, $0x11  }
0xc1: {  	s0 =	sor.u32 s1, s0  }
0xc2: {  	s0 =	sadd.s32 $0x8F2B, s0  }
0xc3: {  	[sflag:s0] =	ssyncadd.remote.s32 $0x1  }
0xc4: {  	_ =	sfence.sel $0xFFFF  }
0xc5: {  	[dreg:$0x0] =	wrdreg $0xFFFFFFFF;
	(pc) =	sbr.abs _section_cstart, $3  }
0xc6: {  	[dreg:$0x1] =	wrdreg $0xFFFFFFFF  }
0xc7: {  	_ =	task.clear_ibuf [dreg:s10], $0x2FFFF;
	_ =	strace $0x9FFFFFFF  }
0xc8: {  	(tm) =	ssettm $0x7FFFFFFF  }
0xc9: {  	_ =	shalt  }
tec
execute0_lowered:
.L_overlay_start_1:
0x0: {  	(tag) =	ssettag $0x1  }
0x1: {  	s1 =	rddreg [dreg:$0x0]  }
0x2: {  	s0 =	rddreg [dreg:$0x1]  }
0x3: {  	s2 =	rddreg [dreg:$0x2]  }
0x4: {  	s6 =	rddreg [dreg:$0x3]  }
0x5: {  	s3 =	rddreg [dreg:$0x4]  }
0x6: {  	s17 =	simm.s32 $0x0;
	s5 =	srdreg.scid;
	s4 =	stileid.u32  }
0x7: {  	s28 =	simm.s32 $0x4000;
	s29 =	simm.s32 $0x6000;
	s30 =	simm.s32 $0x8000  }
0x8: {  	s31 =	simm.s32 $0xA000;
	[smem:$0x7FF] =	sst s17;
	s7 =	sand.u32 $0x1, s5  }
0x9: {  	s25 =	smul.u32 $0x9C, s4;
	s9 =	smin.u32 s4, $0x4;
	s11 =	sshll.u32 s4, $0xC  }
0xa: {  	p0 =	slt.u32 s4, $0x4;
	s24 =	sshll.u32 s4, $0xD;
	s8 =	ssub.s32 $0x2, s7  }
0xb: {  	_ =	strace $0x80000047;
	s18 =	sadd.s32 s11, s3;
	s10 =	sshrl.u32 s8, $0x1  }
0xc: {  	s5 =	sadd.s32 s9, s25;
	s25 =	sshll.u32 s4, $0x3;
	[dreg:$0x6] =	wrdreg s18  }
0xd: {  	s9 =	ssub.s32 s8, s10;
	s26 =	sshll.u32 s5, $0x4;
	s8 =	sshll.u32 s7, $0x6  }
0xe: {  	s11 =	sshll.u32 s5, $0xE;
	s2 =	sadd.s32 s2, s25;
	s25 =	simm.s32 $0xD  }
0xf: {  	s10 =	simm.s32 $0x4;
	s0 =	sadd.s32 s0, s26;
	[dreg:$0xf] =	wrdreg s2  }
0x10: {  	s26 =	smax.u32 s9, $0x1;
	s2 =	simm.s32 $0x2;
	s9 =	simm.s32 $0x3  }
0x11: {  	[dreg:$0x7] =	wrdreg s0;
	s12 =	sadd.s32 $0x9C0, s0;
	s0 =	sor.u32 s8, s11  }
0x12: {  	[dreg:$0x11] =	wrdreg s26;
	s26 =	simm.s32 $0x2000;
	s11 =	simm.s32 $0x5  }
0x13: {  	[dreg:$0x8] =	wrdreg s12;
	s13 =	sshrl.u32 s0, $0x3;
	s14 =	sadd.s32 $0x4000, s0  }
0x14: {  	s15 =	sadd.s32 $0x8000, s0;
	s21 =	sadd.s32 $0xC000, s0;
	s22 =	sadd.s32 $0x10000, s0  }
0x15: {  	s0 =	sadd.s32 $0x14000, s0;
	s12 =	simm.s32 $0x6;
	s7 =	sadd.s32 s1, s13  }
0x16: {  	s16 =	sshrl.u32 s14, $0x3;
	s19 =	sshrl.u32 s15, $0x3;
	s23 =	sshrl.u32 s22, $0x3  }
0x17: {  	s0 =	sshrl.u32 s0, $0x3;
	s13 =	simm.s32 $0x8;
	s14 =	simm.s32 $0x9  }
0x18: {  	s15 =	simm.s32 $0xA;
	[dreg:$0x9] =	wrdreg s7;
	s7 =	sadd.s32 s1, s16  }
0x19: {  	s22 =	simm.s32 $0xB;
	s20 =	sadd.s32 s1, s19;
	[dreg:$0xa] =	wrdreg s7  }
0x1a: {  	s0 =	sadd.s32 s1, s0;
	s16 =	simm.s32 $0x9C;
	[dreg:$0xb] =	wrdreg s20  }
0x1b: {  	s7 =	sshrl.u32 s21, $0x3;
	[dreg:$0xe] =	wrdreg s0;
	s0 =	sor.u32 s8, s24  }
0x1c: {  	s16 =	simm.s32 @!p0 $0x9B;
	p0 =	sgt.u32 s4, $0x3;
	s21 =	simm.s32 $0x10E80  }
0x1d: {  	s24 =	simm.s32 $0x80;
	s7 =	sadd.s32 s1, s7;
	s0 =	sshrl.u32 s0, $0x3  }
0x1e: {  	[dreg:$0xc] =	wrdreg s7;
	s7 =	sadd.s32 s1, s23;
	s0 =	sadd.s32 s6, s0  }
0x1f: {  	s23 =	simm.s32 $0x40;
	s6 =	simm.s32 $0x0;
	[dreg:$0xd] =	wrdreg s7  }
0x20: {  	v0 =	vimm.f32 $0.0e+00;
	[dreg:$0x10] =	wrdreg s0;
	s0 =	simm.s32 $0x1;
	s7 =	simm.s32 $0x7  }
.LBB2_1:
0x21: {  	[dreg:$0x12] =	wrdreg s6;
	s19 =	simm.s32 $0x100;
	s6 =	simm.s32 $0x0  }
.LBB2_2:
0x22: {  	p1 =	sne.s32 s19, $0x3F00;
	[tilespmem:s6+$0x10EB0] =	vst v0;
	s20 =	smov.u32 s19;
	s19 =	sadd.s32 $0x100, s19  }
.Ltmp0:
0x23: {  	[tilespmem:s6+$0x10EA0] =	vst v0;
	(pc) =	sbr.rel @p1 .LBB2_2-.Ltmp0, $3  }
0x24: {  	[tilespmem:s6+$0x10E80] =	vst v0  }
0x25: {  	[tilespmem:s6+$0x10E90] =	vst v0;
	_ =	sdelay $0x1  }
0x26: {  	s6 =	sshra.s32 s20, $0x2  }
0x27: {  	[tilespmem:s6+$0x10EB0] =	vst v0  }
0x28: {  	[tilespmem:s6+$0x10EA0] =	vst v0  }
0x29: {  	[tilespmem:s6+$0x10E80] =	vst v0  }
0x2a: {  	[tilespmem:s6+$0x10E90] =	vst v0  }
0x2b: {  	[spmem:s18] =	stream.linear.scatter [tilespmem:s21], [sflag:$0xD], $0x1000, $0x38;
	[tilespmem:$0x12EC0] =	vst v63  }
0x2c: {  	_ =	swait.ge [sflag:s25], $0x1000  }
0x2d: {  	[sflag:s25] =	ssyncset.done $0x0  }
0x2e: {  	s1 =	simm.s32 $0xC000;
	s4 =	rddreg [dreg:$0x7];
	[sflag:s25] =	ssyncadd.s32 $0xFFFFF000  }
0x2f: {  	[tilespmem:s1], [sflag:$0xD] =	stream.linear.gather [hbm4b:s4+s17], $0x4E00, $0x38;
	[tilespmem:$0x12EC0] =	vst v63  }
0x30: {  	_ =	swait.ge [sflag:s25], $0x4E00  }
0x31: {  	s6 =	simm.s32 @!p0 $0x0;
	[sflag:s25] =	ssyncset.done $0x0  }
0x32: {  	s19 =	simm.s32 @!p0 $0x10E00;
	s4 =	rddreg [dreg:$0x8];
	[sflag:s25] =	ssyncadd.s32 $0xFFFFB200  }
0x33: {  	[tilespmem:s19], [sflag:$0xD] =	stream.linear.gather @!p0 [hbm4b:s4+s6], $0x80, $0x38;
	[tilespmem:$0x12EC0] =	vst v63  }
0x34: {  	s6 =	simm.s32 @!p0 $0xD  }
0x35: {  	_ =	swait.ge @!p0 [sflag:s6], $0x80  }
0x36: {  	[sflag:s6] =	ssyncset.done @!p0 $0x0  }
0x37: {  	[sflag:s6] =	ssyncadd.s32 @!p0 $0xFFFFFF80  }
0x38: {  	[bflag:$0x0] =	sbarrier.arrive $0xFFFF  }
0x39: {  	s6 =	rddreg [dreg:$0x9]  }
0x3a: {  	[tilespmem:s17], [sflag:$0x1] =	stream.strided.gather [hbm4b:s6+s23], $0x2000, s24, s23, $0x38;
	[tilespmem:$0x12EC0] =	vst v63  }
0x3b: {  	s18 =	rddreg [dreg:$0xa]  }
0x3c: {  	[tilespmem:s26], [sflag:$0x2] =	stream.strided.gather [hbm4b:s18+s23], $0x2000, s24, s23, $0x38;
	[tilespmem:$0x12EC0] =	vst v63  }
0x3d: {  	s19 =	rddreg [dreg:$0xb]  }
0x3e: {  	[tilespmem:s28], [sflag:$0x3] =	stream.strided.gather [hbm4b:s19+s23], $0x2000, s24, s23, $0x38;
	[tilespmem:$0x12EC0] =	vst v63  }
0x3f: {  	s20 =	rddreg [dreg:$0xc]  }
0x40: {  	[tilespmem:s29], [sflag:$0x4] =	stream.strided.gather [hbm4b:s20+s23], $0x2000, s24, s23, $0x38;
	[tilespmem:$0x12EC0] =	vst v63  }
0x41: {  	s21 =	rddreg [dreg:$0xd]  }
0x42: {  	[tilespmem:s30], [sflag:$0x5] =	stream.strided.gather [hbm4b:s21+s23], $0x2000, s24, s23, $0x38;
	[tilespmem:$0x12EC0] =	vst v63  }
0x43: {  	s25 =	rddreg [dreg:$0xe]  }
0x44: {  	[tilespmem:s31], [sflag:$0x6] =	stream.strided.gather [hbm4b:s25+s23], $0x2000, s24, s23, $0x38;
	[tilespmem:$0x12EC0] =	vst v63  }
0x45: {  	_ =	swait.ge [sflag:s0], $0x2000  }
0x46: {  	[sflag:s0] =	ssyncset.done $0x0  }
0x47: {  	s1 =	simm.s32 $0xC000;
	[sflag:s0] =	ssyncadd.s32 $0xFFFFE000  }
0x48: {  	[spmem:s3] =	stream.indirect.scatter.add.f32 [tilespmem:s17], [sflag:$0x7], $0x40, s1, s24, $0xb8;
	[tilespmem:$0x12EC0] =	vst v63  }
0x49: {  	_ =	swait.ge [sflag:s2], $0x2000  }
0x4a: {  	[sflag:s2] =	ssyncset.done $0x0  }
0x4b: {  	s4 =	simm.s32 $0xC080;
	[sflag:s2] =	ssyncadd.s32 $0xFFFFE000  }
0x4c: {  	[spmem:s3] =	stream.indirect.scatter.add.f32 [tilespmem:s26], [sflag:$0x8], $0x40, s4, s24, $0xb8;
	[tilespmem:$0x12EC0] =	vst v63  }
0x4d: {  	_ =	swait.ge [sflag:s9], $0x2000  }
0x4e: {  	[sflag:s9] =	ssyncset.done $0x0  }
0x4f: {  	[sflag:s9] =	ssyncadd.s32 $0xFFFFE000;
	s9 =	simm.s32 $0xC100  }
0x50: {  	[spmem:s3] =	stream.indirect.scatter.add.f32 [tilespmem:s28], [sflag:$0x9], $0x40, s9, s24, $0xb8;
	[tilespmem:$0x12EC0] =	vst v63  }
0x51: {  	_ =	swait.ge [sflag:s10], $0x2000  }
0x52: {  	[sflag:s10] =	ssyncset.done $0x0  }
0x53: {  	s18 =	simm.s32 $0xC180;
	[sflag:s10] =	ssyncadd.s32 $0xFFFFE000  }
0x54: {  	[spmem:s3] =	stream.indirect.scatter.add.f32 [tilespmem:s29], [sflag:$0xA], $0x40, s18, s24, $0xb8;
	[tilespmem:$0x12EC0] =	vst v63  }
0x55: {  	s20 =	simm.s32 $0x6;
	_ =	swait.ge [sflag:s11], $0x2000  }
0x56: {  	s19 =	simm.s32 $0xC200;
	s6 =	smin.u32 s20, s16;
	[sflag:s11] =	ssyncset.done $0x0  }
0x57: {  	s20 =	simm.s32 $0x7;
	s6 =	sadd.s32 s5, s6;
	[sflag:s11] =	ssyncadd.s32 $0xFFFFE000  }
0x58: {  	[spmem:s3] =	stream.indirect.scatter.add.f32 [tilespmem:s30], [sflag:$0xB], $0x40, s19, s24, $0xb8;
	[tilespmem:$0x12EC0] =	vst v63  }
0x59: {  	s20 =	smin.u32 s20, s16;
	s6 =	sshll.u32 s6, $0xE;
	_ =	swait.ge [sflag:s12], $0x2000  }
0x5a: {  	s20 =	sadd.s32 s5, s20;
	s6 =	sor.u32 s8, s6;
	[sflag:s12] =	ssyncset.done $0x0  }
0x5b: {  	s20 =	sshll.u32 s20, $0xE;
	s19 =	simm.s32 $0xC280;
	[sflag:s12] =	ssyncadd.s32 $0xFFFFE000  }
0x5c: {  	[spmem:s3] =	stream.indirect.scatter.add.f32 [tilespmem:s31], [sflag:$0xC], $0x40, s19, s24, $0xb8;
	[tilespmem:$0x12EC0] =	vst v63  }
0x5d: {  	s25 =	simm.s32 $0x8;
	s20 =	sor.u32 s8, s20;
	_ =	swait.ge [sflag:s7], $0x2000  }
0x5e: {  	s6 =	sshrl.u32 s6, $0x3;
	s20 =	sshrl.u32 s20, $0x3;
	[sflag:s7] =	ssyncset.done $0x0  }
0x5f: {  	s0 =	simm.s32 $0xB;
	s2 =	simm.s32 $0x1;
	[sflag:s7] =	ssyncadd.s32 $0xFFFFE000  }
0x60: {  	s9 =	simm.s32 $0x3;
	s10 =	simm.s32 $0x4;
	s21 =	rddreg [dreg:$0x0]  }
0x61: {  	s11 =	simm.s32 $0x5;
	s12 =	simm.s32 $0x6;
	s6 =	sadd.s32 s21, s6  }
0x62: {  	[tilespmem:s17], [sflag:$0x1] =	stream.strided.gather [hbm4b:s6+s23], $0x2000, s24, s23, $0x38;
	[tilespmem:$0x12EC0] =	vst v63  }
0x63: {  	s7 =	simm.s32 $0x7;
	s6 =	smin.u32 s25, s16;
	_ =	swait.ge [sflag:s13], $0x2000  }
0x64: {  	s20 =	sadd.s32 s21, s20;
	s6 =	sadd.s32 s5, s6;
	[sflag:s13] =	ssyncset.done $0x0  }
0x65: {  	s17 =	simm.s32 $0xC;
	s6 =	sshll.u32 s6, $0xE;
	[sflag:s13] =	ssyncadd.s32 $0xFFFFE000  }
0x66: {  	[tilespmem:s26], [sflag:$0x2] =	stream.strided.gather [hbm4b:s20+s23], $0x2000, s24, s23, $0x38;
	[tilespmem:$0x12EC0] =	vst v63  }
0x67: {  	s6 =	sor.u32 s8, s6;
	s13 =	simm.s32 $0x8;
	s26 =	simm.s32 $0x9  }
0x68: {  	s6 =	sshrl.u32 s6, $0x3;
	_ =	swait.ge [sflag:s14], $0x2000;
	s20 =	smin.u32 s26, s16  }
0x69: {  	s6 =	sadd.s32 s21, s6;
	[sflag:s14] =	ssyncset.done $0x0;
	s20 =	sadd.s32 s5, s20  }
0x6a: {  	[sflag:s14] =	ssyncadd.s32 $0xFFFFE000;
	s20 =	sshll.u32 s20, $0xE;
	s14 =	simm.s32 $0x9  }
0x6b: {  	[tilespmem:s28], [sflag:$0x3] =	stream.strided.gather [hbm4b:s6+s23], $0x2000, s24, s23, $0x38;
	[tilespmem:$0x12EC0] =	vst v63  }
0x6c: {  	s28 =	simm.s32 $0xA;
	s20 =	sor.u32 s8, s20;
	_ =	swait.ge [sflag:s15], $0x2000  }
0x6d: {  	s6 =	smin.u32 s28, s16;
	s20 =	sshrl.u32 s20, $0x3;
	[sflag:s15] =	ssyncset.done $0x0  }
0x6e: {  	s6 =	sadd.s32 s5, s6;
	s20 =	sadd.s32 s21, s20;
	[sflag:s15] =	ssyncadd.s32 $0xFFFFE000  }
0x6f: {  	[tilespmem:s29], [sflag:$0x4] =	stream.strided.gather [hbm4b:s20+s23], $0x2000, s24, s23, $0x38;
	[tilespmem:$0x12EC0] =	vst v63  }
0x70: {  	s6 =	sshll.u32 s6, $0xE;
	s15 =	simm.s32 $0xA;
	s29 =	simm.s32 $0xB  }
0x71: {  	s6 =	sor.u32 s8, s6;
	_ =	swait.ge [sflag:s22], $0x2000;
	s20 =	smin.u32 s29, s16  }
0x72: {  	s6 =	sshrl.u32 s6, $0x3;
	[sflag:s22] =	ssyncset.done $0x0;
	s20 =	sadd.s32 s5, s20  }
0x73: {  	s6 =	sadd.s32 s21, s6;
	[sflag:s22] =	ssyncadd.s32 $0xFFFFE000;
	s20 =	sshll.u32 s20, $0xE  }
0x74: {  	[tilespmem:s30], [sflag:$0x5] =	stream.strided.gather [hbm4b:s6+s23], $0x2000, s24, s23, $0x38;
	[tilespmem:$0x12EC0] =	vst v63  }
0x75: {  	s22 =	simm.s32 $0x2;
	s31 =	sor.u32 s8, s20;
	_ =	swait.ge [sflag:s17], $0x2000  }
0x76: {  	s20 =	simm.s32 $0x11;
	s6 =	sshrl.u32 s31, $0x3;
	[sflag:s17] =	ssyncset.done $0x0  }
.LBB2_4:
0x77: {  	[sflag:s17] =	ssyncadd.s32 $0xFFFFE000  }
0x78: {  	s1 =	rddreg [dreg:$0x0]  }
0x79: {  	s4 =	simm.s32 $0xA000;
	s18 =	sadd.s32 s1, s6  }
0x7a: {  	[tilespmem:s4], [sflag:$0x6] =	stream.strided.gather [hbm4b:s18+s23], $0x2000, s24, s23, $0x38;
	[tilespmem:$0x12EC0] =	vst v63  }
0x7b: {  	_ =	swait.ge [sflag:s2], $0x2000  }
0x7c: {  	s19 =	sadd.s32 $0x300, s19;
	[sflag:s2] =	ssyncset.done $0x0  }
0x7d: {  	s29 =	simm.s32 $0x0;
	s21 =	sadd.s32 $0xFFFFFD80, s19;
	[sflag:s2] =	ssyncadd.s32 $0xFFFFE000  }
0x7e: {  	[spmem:s3] =	stream.indirect.scatter.add.f32 [tilespmem:s29], [sflag:$0x7], $0x40, s21, s24, $0xb8;
	[tilespmem:$0x12EC0] =	vst v63  }
0x7f: {  	_ =	swait.ge [sflag:s22], $0x2000  }
0x80: {  	[sflag:s22] =	ssyncset.done $0x0  }
0x81: {  	s30 =	simm.s32 $0x2000;
	s25 =	sadd.s32 $0xFFFFFE00, s19;
	[sflag:s22] =	ssyncadd.s32 $0xFFFFE000  }
0x82: {  	[spmem:s3] =	stream.indirect.scatter.add.f32 [tilespmem:s30], [sflag:$0x8], $0x40, s25, s24, $0xb8;
	[tilespmem:$0x12EC0] =	vst v63  }
0x83: {  	_ =	swait.ge [sflag:s9], $0x2000  }
0x84: {  	[sflag:s9] =	ssyncset.done $0x0  }
0x85: {  	s31 =	simm.s32 $0x4000;
	s26 =	sadd.s32 $0xFFFFFE80, s19;
	[sflag:s9] =	ssyncadd.s32 $0xFFFFE000  }
0x86: {  	[spmem:s3] =	stream.indirect.scatter.add.f32 [tilespmem:s31], [sflag:$0x9], $0x40, s26, s24, $0xb8;
	[tilespmem:$0x12EC0] =	vst v63  }
0x87: {  	_ =	swait.ge [sflag:s10], $0x2000  }
0x88: {  	[sflag:s10] =	ssyncset.done $0x0  }
0x89: {  	s1 =	sadd.s32 $0xFFFFFF00, s19;
	s26 =	simm.s32 $0x6000;
	[sflag:s10] =	ssyncadd.s32 $0xFFFFE000  }
0x8a: {  	[spmem:s3] =	stream.indirect.scatter.add.f32 [tilespmem:s26], [sflag:$0xA], $0x40, s1, s24, $0xb8;
	[tilespmem:$0x12EC0] =	vst v63  }
0x8b: {  	_ =	swait.ge [sflag:s11], $0x2000  }
0x8c: {  	s17 =	sadd.s32 $0xFFFFFF80, s19;
	[sflag:s11] =	ssyncset.done $0x0  }
0x8d: {  	s6 =	smov.u32 s20;
	s1 =	simm.s32 $0x8000;
	[sflag:s11] =	ssyncadd.s32 $0xFFFFE000  }
0x8e: {  	[spmem:s3] =	stream.indirect.scatter.add.f32 [tilespmem:s1], [sflag:$0xB], $0x40, s17, s24, $0xb8;
	[tilespmem:$0x12EC0] =	vst v63  }
0x8f: {  	s21 =	sadd.s32 $0xFFFFFFFB, s6;
	_ =	swait.ge [sflag:s12], $0x2000  }
0x90: {  	s18 =	smin.u32 s21, s16;
	[sflag:s12] =	ssyncset.done $0x0  }
0x91: {  	s18 =	sadd.s32 s5, s18;
	[sflag:s12] =	ssyncadd.s32 $0xFFFFE000  }
0x92: {  	[spmem:s3] =	stream.indirect.scatter.add.f32 [tilespmem:s4], [sflag:$0xC], $0x40, s19, s24, $0xb8;
	[tilespmem:$0x12EC0] =	vst v63  }
0x93: {  	s18 =	sshll.u32 s18, $0xE;
	_ =	swait.ge [sflag:s7], $0x2000  }
0x94: {  	p1 =	sne.s32 s20, $0xA1;
	s18 =	sor.u32 s8, s18;
	[sflag:s7] =	ssyncset.done $0x0  }
0x95: {  	s25 =	sadd.s32 $0xFFFFFFFC, s6;
	s18 =	sshrl.u32 s18, $0x3;
	[sflag:s7] =	ssyncadd.s32 $0xFFFFE000  }
0x96: {  	s17 =	sadd.s32 $0xFFFFFFFE, s6;
	s4 =	smin.u32 s25, s16;
	s25 =	rddreg [dreg:$0x0]  }
0x97: {  	s21 =	sadd.s32 $0xFFFFFFFF, s6;
	s17 =	smin.u32 s17, s16;
	s18 =	sadd.s32 s25, s18  }
0x98: {  	[tilespmem:s29], [sflag:$0x1] =	stream.strided.gather [hbm4b:s18+s23], $0x2000, s24, s23, $0x38;
	[tilespmem:$0x12EC0] =	vst v63  }
0x99: {  	s17 =	sadd.s32 s5, s17;
	s4 =	sadd.s32 s5, s4;
	_ =	swait.ge [sflag:s13], $0x2000  }
0x9a: {  	s4 =	sshll.u32 s4, $0xE;
	s25 =	sadd.s32 $0xFFFFFFFD, s6;
	[sflag:s13] =	ssyncset.done $0x0  }
0x9b: {  	s4 =	sor.u32 s8, s4;
	s25 =	smin.u32 s25, s16;
	[sflag:s13] =	ssyncadd.s32 $0xFFFFE000  }
0x9c: {  	s4 =	sshrl.u32 s4, $0x3;
	s18 =	sadd.s32 s5, s25;
	s29 =	rddreg [dreg:$0x0]  }
0x9d: {  	s17 =	sshll.u32 s17, $0xE;
	s18 =	sshll.u32 s18, $0xE;
	s4 =	sadd.s32 s29, s4  }
0x9e: {  	[tilespmem:s30], [sflag:$0x2] =	stream.strided.gather [hbm4b:s4+s23], $0x2000, s24, s23, $0x38;
	[tilespmem:$0x12EC0] =	vst v63  }
0x9f: {  	s6 =	smin.u32 s6, s16;
	s30 =	sor.u32 s8, s18;
	_ =	swait.ge [sflag:s14], $0x2000  }
0xa0: {  	s4 =	sshrl.u32 s30, $0x3;
	s18 =	rddreg [dreg:$0x0];
	[sflag:s14] =	ssyncset.done $0x0  }
0xa1: {  	s6 =	sadd.s32 s5, s6;
	[sflag:s14] =	ssyncadd.s32 $0xFFFFE000;
	s4 =	sadd.s32 s18, s4  }
0xa2: {  	[tilespmem:s31], [sflag:$0x3] =	stream.strided.gather [hbm4b:s4+s23], $0x2000, s24, s23, $0x38;
	[tilespmem:$0x12EC0] =	vst v63  }
0xa3: {  	s25 =	sor.u32 s8, s17;
	s29 =	smin.u32 s21, s16;
	_ =	swait.ge [sflag:s15], $0x2000  }
0xa4: {  	s17 =	sadd.s32 s5, s29;
	s4 =	sshrl.u32 s25, $0x3;
	[sflag:s15] =	ssyncset.done $0x0  }
0xa5: {  	s17 =	sshll.u32 s17, $0xE;
	s4 =	sadd.s32 s18, s4;
	[sflag:s15] =	ssyncadd.s32 $0xFFFFE000  }
0xa6: {  	[tilespmem:s26], [sflag:$0x4] =	stream.strided.gather [hbm4b:s4+s23], $0x2000, s24, s23, $0x38;
	[tilespmem:$0x12EC0] =	vst v63  }
0xa7: {  	s6 =	sshll.u32 s6, $0xE;
	s30 =	sor.u32 s8, s17;
	_ =	swait.ge [sflag:s0], $0x2000  }
.Ltmp1:
0xa8: {  	s4 =	sshrl.u32 s30, $0x3;
	[sflag:s0] =	ssyncset.done $0x0;
	(pc) =	sbr.rel @p1 .LBB2_4-.Ltmp1, $4  }
0xa9: {  	s17 =	simm.s32 $0xC;
	s4 =	sadd.s32 s18, s4;
	[sflag:s0] =	ssyncadd.s32 $0xFFFFE000  }
0xaa: {  	[tilespmem:s1], [sflag:$0x5] =	stream.strided.gather [hbm4b:s4+s23], $0x2000, s24, s23, $0x38;
	[tilespmem:$0x12EC0] =	vst v63  }
0xab: {  	s28 =	simm.s32 $0xA000;
	s31 =	sor.u32 s8, s6;
	_ =	swait.ge [sflag:s17], $0x2000  }
0xac: {  	s20 =	sadd.s32 $0x6, s20;
	s6 =	sshrl.u32 s31, $0x3;
	[sflag:s17] =	ssyncset.done $0x0  }
0xad: {  	[sflag:s17] =	ssyncadd.s32 $0xFFFFE000;
	s4 =	sadd.s32 s18, s6  }
0xae: {  	[tilespmem:s28], [sflag:$0x6] =	stream.strided.gather [hbm4b:s4+s23], $0x2000, s24, s23, $0x38;
	[tilespmem:$0x12EC0] =	vst v63  }
0xaf: {  	_ =	swait.ge [sflag:s2], $0x2000  }
0xb0: {  	[sflag:s2] =	ssyncset.done $0x0  }
0xb1: {  	[sflag:s2] =	ssyncadd.s32 $0xFFFFE000  }
0xb2: {  	_ =	swait.ge [sflag:s22], $0x2000  }
0xb3: {  	[sflag:s22] =	ssyncset.done $0x0  }
0xb4: {  	[sflag:s22] =	ssyncadd.s32 $0xFFFFE000  }
0xb5: {  	_ =	swait.ge [sflag:s9], $0x2000  }
0xb6: {  	[sflag:s9] =	ssyncset.done $0x0  }
0xb7: {  	[sflag:s9] =	ssyncadd.s32 $0xFFFFE000  }
0xb8: {  	_ =	swait.ge [sflag:s10], $0x2000  }
0xb9: {  	[sflag:s10] =	ssyncset.done $0x0  }
0xba: {  	[sflag:s10] =	ssyncadd.s32 $0xFFFFE000  }
0xbb: {  	_ =	swait.ge [sflag:s11], $0x2000  }
0xbc: {  	[sflag:s11] =	ssyncset.done $0x0  }
0xbd: {  	[sflag:s11] =	ssyncadd.s32 $0xFFFFE000  }
0xbe: {  	_ =	swait.ge [sflag:s12], $0x2000  }
0xbf: {  	s6 =	simm.s32 @!p0 $0x10E00;
	[sflag:s12] =	ssyncset.done $0x0  }
0xc0: {  	s17 =	simm.s32 @!p0 $0x0;
	s4 =	simm.s32 @!p0 $0x80;
	[sflag:s12] =	ssyncadd.s32 $0xFFFFE000  }
0xc1: {  	[spmem:s3] =	stream.indirect.scatter.add.f32 @!p0 [tilespmem:s17], [sflag:$0xD], $0x40, s6, s4, $0xb8;
	[tilespmem:$0x12EC0] =	vst v63  }
0xc2: {  	s4 =	simm.s32 @!p0 $0xD  }
0xc3: {  	_ =	swait.ge @!p0 [sflag:s4], $0x2000  }
0xc4: {  	[sflag:s4] =	ssyncset.done @!p0 $0x0  }
0xc5: {  	[sflag:s4] =	ssyncadd.s32 @!p0 $0xFFFFE000  }
0xc6: {  	[bflag:$0x0] =	sbarrier.arrive $0xFFFF  }
0xc7: {  	s21 =	simm.s32 $0x10E80;
	s25 =	simm.s32 $0xD;
	s18 =	rddreg [dreg:$0x6]  }
0xc8: {  	[tilespmem:s21], [sflag:$0xD] =	stream.linear.gather [spmem:s18], $0x1000, $0x38;
	[tilespmem:$0x12EC0] =	vst v63  }
0xc9: {  	_ =	swait.ge [sflag:s25], $0x1000  }
0xca: {  	s28 =	simm.s32 $0x0;
	[sflag:s25] =	ssyncset.done $0x0  }
0xcb: {  	s7 =	simm.s32 $0x11E80;
	v1 =	vmov s28;
	s29 =	rddreg [dreg:$0xf];
	[sflag:s25] =	ssyncadd.s32 $0xFFFFF000  }
0xcc: {  	[tilespmem:s7], [sflag:$0xD] =	stream.linear.gather [hbm4b:s29+s28], $0x40, $0x38;
	[tilespmem:$0x12EC0] =	vst v63  }
0xcd: {  	_ =	swait.ge [sflag:s25], $0x40  }
0xce: {  	[sflag:s25] =	ssyncset.done $0x0  }
0xcf: {  	[sflag:s25] =	ssyncadd.s32 $0xFFFFFFC0  }
0xd0: {  	v1 =	vld.idx.msk [tilespmem:v1+s7+$0x0], $0xffff;
	_ =	sdelay $0x4  }
0xd1: {  	(erf) = vrcp.f32 v1;
	_ =	sdelay $0x1  }
0xd2: {  	s6 =	simm.s32 $0x10EA0  }
0xd3: {  	v4 =	vld [tilespmem:s6+$0x10]  }
0xd4: {  	v2 =	vld [tilespmem:s6+$0xFFFFFFE0]  }
0xd5: {  	v1 =	vld [tilespmem:s6+$0xFFFFFFF0]  }
0xd6: {  	v5 =	vld [tilespmem:s6+$0x0];
	_ =	sdelay $0x2  }
0xd7: {  	s30 =	simm.s32 $0x1;
	s19 =	simm.s32 $0x2;
	s31 =	simm.s32 $0xA000;
	v6 =	vpop (erf)  }
0xd8: {  	s0 =	simm.s32 $0x1;
	s2 =	simm.s32 $0x2;
	s9 =	simm.s32 $0x3;
	v3 =	vmul.f32 v6, v2;
	v2 =	vmul.f32 v1, v6  }
0xd9: {  	s10 =	simm.s32 $0x4;
	s11 =	simm.s32 $0x5;
	s12 =	simm.s32 $0x6;
	v1 =	vmov s30;
	v5 =	vmul.f32 v5, v6;
	v4 =	vmul.f32 v4, v6  }
.LBB2_6:
0xda: {  	p1 =	sne.s32 s19, $0x3F;
	[tilespmem:s6+$0xFFFFFFE0] =	vst v3  }
0xdb: {  	[tilespmem:s6+$0xFFFFFFF0] =	vst v2  }
0xdc: {  	[tilespmem:s6+$0x0] =	vst v5  }
0xdd: {  	[tilespmem:s6+$0x10] =	vst v4  }
0xde: {  	v1 =	vld.idx.msk [tilespmem:v1+s7+$0x0], $0xffff;
	_ =	sdelay $0x5  }
0xdf: {  	(erf) = vrcp.f32 v1;
	_ =	sdelay $0x1  }
0xe0: {  	s6 =	sadd.s32 $0x40, s6  }
0xe1: {  	v1 =	vld [tilespmem:s6+$0xFFFFFFF0]  }
0xe2: {  	v4 =	vld [tilespmem:s6+$0x10]  }
0xe3: {  	v2 =	vld [tilespmem:s6+$0xFFFFFFE0]  }
0xe4: {  	v5 =	vld [tilespmem:s6+$0x0]  }
.Ltmp2:
0xe5: {  	(pc) =	sbr.rel @p1 .LBB2_6-.Ltmp2, $4  }
0xe6: {  	_ = 	snop  }
0xe7: {  	v6 =	vpop (erf)  }
0xe8: {  	v3 =	vmul.f32 v6, v2;
	v2 =	vmul.f32 v1, v6  }
0xe9: {  	v1 =	vmov s19;
	s19 =	sadd.s32 $0x1, s19;
	v4 =	vmul.f32 v4, v6;
	v5 =	vmul.f32 v5, v6  }
0xea: {  	[tilespmem:s6+$0xFFFFFFE0] =	vst v3  }
0xeb: {  	[tilespmem:s6+$0xFFFFFFF0] =	vst v2  }
0xec: {  	[tilespmem:s6+$0x0] =	vst v5  }
0xed: {  	[tilespmem:s6+$0x10] =	vst v4  }
0xee: {  	v1 =	vld.idx.msk [tilespmem:v1+s7+$0x0], $0xffff;
	_ =	sdelay $0x4  }
0xef: {  	(erf) = vrcp.f32 v1;
	_ =	sdelay $0x3  }
0xf0: {  	s4 =	sadd.s32 $0x40, s6  }
0xf1: {  	v1 =	vld [tilespmem:s4+$0xFFFFFFE0]  }
0xf2: {  	v2 =	vld [tilespmem:s4+$0xFFFFFFF0]  }
0xf3: {  	v3 =	vld [tilespmem:s4+$0x0]  }
0xf4: {  	v4 =	vld [tilespmem:s4+$0x10]  }
0xf5: {  	v63 =	vpop (erf)  }
0xf6: {  	v1 =	vmul.f32 v63, v1  }
0xf7: {  	v2 =	vmul.f32 v2, v63  }
0xf8: {  	v3 =	vmul.f32 v3, v63;
	[tilespmem:s4+$0xFFFFFFE0] =	vst v1  }
0xf9: {  	v1 =	vmul.f32 v4, v63;
	[tilespmem:s4+$0xFFFFFFF0] =	vst v2  }
0xfa: {  	[tilespmem:s4+$0x0] =	vst v3  }
0xfb: {  	s20 =	rddreg [dreg:$0x10];
	[tilespmem:s4+$0x10] =	vst v1  }
0xfc: {  	[hbm4b:s20+s23] =	stream.strided.scatter [tilespmem:s21], [sflag:$0xD], $0x1000, s24, s23, $0x38;
	[tilespmem:$0x12EC0] =	vst v63  }
0xfd: {  	_ =	swait.ge [sflag:s25], $0x1000  }
0xfe: {  	s22 =	rddreg [dreg:$0x12]  }
0xff: {  	s26 =	rddreg [dreg:$0x11];
	s6 =	sadd.s32 $0x1, s22  }
0x100: {  	p1 =	sne.s32 s6, s26  }
.Ltmp3:
0x101: {  	_ = 	snop;
	(pc) =	sbr.rel @p1 .LBB2_1-.Ltmp3, $4  }
0x102: {  	s17 =	simm.s32 $0x0;
	s28 =	simm.s32 $0x4000;
	s29 =	simm.s32 $0x6000  }
0x103: {  	s30 =	simm.s32 $0x8000;
	s13 =	simm.s32 $0x8;
	s14 =	simm.s32 $0x9  }
0x104: {  	s15 =	simm.s32 $0xA;
	s7 =	simm.s32 $0x7;
	[sflag:s25] =	ssyncset.done $0x0  }
0x105: {  	[sflag:s25] =	ssyncadd.s32 $0xFFFFF000;
	s22 =	simm.s32 $0xB;
	s26 =	simm.s32 $0x2000  }
0x106: {  	_ =	sfence.sel $0x180000  }
0x107: {  	[bflag:$0x0] =	sbarrier.arrive $0xFFFF  }
0x108: {  	_ =	strace $0x90000047  }
0x109: {  	s0 =	stileid.u32;
	[bflag:$0x2] =	sbarrier.arrive $0xFFFF  }
0x10a: {  	p0 =	sne.s32 s0, $0x0;
	s0 =	rddreg [dreg:$0x5]  }
0x10b: {  	s0 =	sadd.s32 @!p0 $0x100000, s0  }
0x10c: {  	[sflag:s0] =	ssyncadd.tile.s32 @!p0 $0x1;
	_ =	shalt  }
.Lfunc_end2:
_tile_overlayer_lowered:
.L_overlay_start_2:
0x10d: {  	(tag) =	ssettag $0x2  }
0x10e: {  	s0 =	rddreg [dreg:$0x0];
	s2 =	stileid.u32  }
0x10f: {  	s1 =	rddreg [dreg:$0x1];
	p0 =	sne.s32 s2, $0x0  }
0x110: {  	s3 =	rddreg [dreg:$0x2];
	[bflag:$0x3] =	sbarrier.arrive $0xFFFF;
	s2 =	simm.s32 @!p0 $0x1C0D  }
0x111: {  	[timem:s3], [sflag:s2] =	dma.local @!p0 [hbm:s0], s1  }
0x112: {  	s0 =	simm.s32 @!p0 $0xD  }
0x113: {  	_ =	swait.ge @!p0 [sflag:s0], s1  }
0x114: {  	s1 =	ssub.s32 @!p0 $0x0, s1;
	[sflag:s0] =	ssyncset.done @!p0 $0x0  }
0x115: {  	[sflag:s0] =	ssyncadd.s32 @!p0 s1  }
0x116: {  	[bflag:$0x3] =	sbarrier.arrive $0xFFFF  }
0x117: {  	_ =	shalt  }

</sc_bundles>
